<compile_context>
chip_gen: v7x
topology: tpu7x:2x2x1
jax: 0.10.2.dev20260603
libtpu: 0.0.44.dev20260713+nightly
codegen_flags: <defaults>
</compile_context>

<pallas_src>
import functools

import jax
import jax.numpy as jnp
from jax import lax
from jax.experimental import pallas as pl
from jax.experimental.pallas import tpu as pltpu
from jax.experimental.pallas import tpu_sc as plsc

_N_Q = 4
_N_E = 1024
_E_DIM = 128
_BETA = 0.25
_BM = 3072
_M = 18432
_NBLK = _M // _BM


def _tc_stage_kernel(first, rprev_ref, qprev_ref, w_ref,
                     r_ref, idx_ref, s_ref, wsq_ref):
    i = pl.program_id(0)

    @pl.when(i == 0)
    def _consts():
        w = w_ref[...]
        wsq_ref[0, :] = jnp.sum(w * w, axis=1)

    if first:
        r = rprev_ref[...]
    else:
        r = rprev_ref[...] - qprev_ref[...]
    rsq = jnp.sum(r * r, axis=1, keepdims=True)
    mm = jax.lax.dot_general(r * (-2.0), w_ref[...], (((1,), (1,)), ((), ())),
                             preferred_element_type=jnp.float32)
    score = rsq + mm + wsq_ref[0, :][None, :]
    col_iota = jax.lax.broadcasted_iota(jnp.int32, (_BM, _N_E), 1)
    mn = jnp.min(score, axis=1, keepdims=True)
    idx = jnp.min(jnp.where(score <= mn, col_iota, _N_E), axis=1)
    r_ref[...] = r
    idx_ref[0, 0, :] = idx

    s_blk = jnp.reshape(jnp.sum(rsq), (1, 1))

    @pl.when(i == 0)
    def _s_init():
        s_ref[...] = jnp.zeros((1, 1), jnp.float32)
    s_ref[...] += s_blk


def _tc_stage(first, rprev, qprev, w):
    if first:
        def body(rprev_ref, w_ref, r_ref, idx_ref, s_ref, wsq_ref):
            return _tc_stage_kernel(True, rprev_ref, None, w_ref,
                                    r_ref, idx_ref, s_ref, wsq_ref)
        in_specs = [
            pl.BlockSpec((_BM, _E_DIM), lambda i: (i, 0)),
            pl.BlockSpec((_N_E, _E_DIM), lambda i: (0, 0)),
        ]
        args = (rprev, w)
    else:
        body = functools.partial(_tc_stage_kernel, False)
        in_specs = [
            pl.BlockSpec((_BM, _E_DIM), lambda i: (i, 0)),
            pl.BlockSpec((_BM, _E_DIM), lambda i: (i, 0)),
            pl.BlockSpec((_N_E, _E_DIM), lambda i: (0, 0)),
        ]
        args = (rprev, qprev, w)
    return pl.pallas_call(
        body,
        grid=(_NBLK,),
        in_specs=in_specs,
        out_specs=[
            pl.BlockSpec((_BM, _E_DIM), lambda i: (i, 0)),
            pl.BlockSpec((1, 1, _BM), lambda i: (i, 0, 0)),
            pl.BlockSpec((1, 1), lambda i: (0, 0)),
        ],
        out_shape=[
            jax.ShapeDtypeStruct((_M, _E_DIM), jnp.float32),
            jax.ShapeDtypeStruct((_NBLK, 1, _BM), jnp.int32),
            jax.ShapeDtypeStruct((1, 1), jnp.float32),
        ],
        scratch_shapes=[pltpu.VMEM((1, _N_E), jnp.float32)],
    )(*args)


def _make_sc_gather():
    info = plsc.get_sparse_core_info()
    nw = info.num_cores * info.num_subcores
    b_per_w = _M // nw
    mesh = plsc.VectorSubcoreMesh(core_axis_name="c", subcore_axis_name="s")

    @functools.partial(
        pl.kernel, mesh=mesh,
        out_type=jax.ShapeDtypeStruct((_M, _E_DIM), jnp.float32),
        scratch_types=[
            pltpu.VMEM((b_per_w,), jnp.int32),
            pltpu.VMEM((b_per_w, _E_DIM), jnp.float32),
            pltpu.SemaphoreType.DMA,
        ],
    )
    def gather(table_hbm, idx_hbm, out_hbm, idx_v, rows_v, sem):
        wid = lax.axis_index("s") * info.num_cores + lax.axis_index("c")
        base = wid * b_per_w
        pltpu.sync_copy(idx_hbm.at[pl.ds(base, b_per_w)], idx_v)
        pltpu.async_copy(table_hbm.at[idx_v], rows_v, sem).wait()
        pltpu.sync_copy(rows_v, out_hbm.at[pl.ds(base, b_per_w)])

    return gather


_sc_gather = _make_sc_gather()


def _tc_final_kernel(z_ref, r3_ref, q3_ref, zq_ref, s_ref):
    i = pl.program_id(0)
    r4 = r3_ref[...] - q3_ref[...]
    zq_ref[...] = z_ref[...] - r4
    s_blk = jnp.reshape(jnp.sum(r4 * r4), (1, 1))

    @pl.when(i == 0)
    def _s_init():
        s_ref[...] = jnp.zeros((1, 1), jnp.float32)
    s_ref[...] += s_blk


def _tc_final(z, r3, q3):
    return pl.pallas_call(
        _tc_final_kernel,
        grid=(_NBLK,),
        in_specs=[pl.BlockSpec((_BM, _E_DIM), lambda i: (i, 0))] * 3,
        out_specs=[
            pl.BlockSpec((_BM, _E_DIM), lambda i: (i, 0)),
            pl.BlockSpec((1, 1), lambda i: (0, 0)),
        ],
        out_shape=[
            jax.ShapeDtypeStruct((_M, _E_DIM), jnp.float32),
            jax.ShapeDtypeStruct((1, 1), jnp.float32),
        ],
    )(z, r3, q3)


def kernel(z, W0, W1, W2, W3):
    B, T, D = z.shape
    zf = z.reshape(_M, D)
    Ws = (W0, W1, W2, W3)
    rprev, qprev = zf, zf
    idxs, s_parts = [], []
    for k in range(_N_Q):
        r, idx, s = _tc_stage(k == 0, rprev, qprev, Ws[k])
        q = _sc_gather(Ws[k], idx.reshape(_M))
        idxs.append(idx.reshape(_M))
        s_parts.append(s[0, 0])
        rprev, qprev = r, q
    zq, s4 = _tc_final(zf, rprev, qprev)
    total_loss = (s_parts[1] + s_parts[2] + s_parts[3] + s4[0, 0]) * (
        (1.0 + _BETA) / (_N_Q * _M * D))
    inds = jnp.stack(idxs, axis=-1).reshape(B, T, _N_Q)
    return (zq.reshape(B, T, D), total_loss, inds)

# --- scband reference (transcript-rebuilt; emitter-appended) ---
"""Pipeline reference for scband-residual-vector-quantizer-61984968016344 (READ-ONLY COPY).

The authoritative reference and input builder live on the scoring server;
editing this copy changes nothing except your own understanding.
"""

import jax, jax.numpy as jnp
import numpy as np

N_Q = 4
N_E = 1024
E_DIM = 128
BETA = 0.25


def setup_inputs(seed: int = 0) -> dict:
    key = jax.random.key(seed)
    ks = jax.random.split(key, N_Q + 1)
    z = jax.random.normal(ks[0], (32, 576, E_DIM), dtype=jnp.float32)
    bound = float(np.sqrt(6.0 / (N_E + E_DIM)))  # xavier_uniform
    inp = {"z": z}
    for i in range(N_Q):
        inp[f"W{i}"] = jax.random.uniform(ks[i + 1], (N_E, E_DIM), jnp.float32, -bound, bound)
    return inp


def _l2_efficient(x, w):
    # x: [M, d], w: [K, d] -> [M, K], matches L2_efficient(x, w.T)
    return jnp.sum(x * x, axis=1, keepdims=True) - 2.0 * (x @ w.T) + jnp.sum(w * w, axis=1)[None, :]


def reference(z, W0, W1, W2, W3):
    Ws = [W0, W1, W2, W3]
    residual = z
    cumulative = jnp.zeros_like(z)
    losses = []
    indices = []
    for k in range(N_Q):
        flat = residual.reshape(-1, E_DIM)
        dist = _l2_efficient(flat, Ws[k])
        idx = jnp.argmin(dist, axis=1)
        # one_hot @ W == gather of codebook rows
        q = jnp.take(Ws[k], idx, axis=0).reshape(residual.shape)
        sg_res = jax.lax.stop_gradient(residual)
        commit = jnp.mean((sg_res - q) ** 2, axis=-1)
        codebook = jnp.mean((q - sg_res) ** 2, axis=-1)
        losses.append(commit + BETA * codebook)
        cumulative = cumulative + q
        residual = residual - q
        indices.append(idx.reshape(z.shape[0], z.shape[1], 1))
    z_q = z + jax.lax.stop_gradient(cumulative - z)
    total_loss = jnp.mean(jnp.stack(losses, axis=0), axis=0).mean()
    inds = jnp.concatenate(indices, axis=-1)
    return (z_q, total_loss, inds)

if __name__ == "__main__":
    import jax
    _d = setup_inputs()
    print(jax.jit(kernel)(*tuple(_d.values())))

</pallas_src>

<mosaic_0001>
#map = affine_map<(d0, d1) -> (0, 0)>
#map1 = affine_map<(d0, d1) -> (0)>
module attributes {stable_mosaic.version = 14 : i64} {
  func.func @gather(%arg0: i32, %arg1: i32, %arg2: memref<1024x128xf32, #tpu.memory_space<hbm>>, %arg3: memref<18432xi32, #tpu.memory_space<hbm>>, %arg4: memref<18432x128xf32, #tpu.memory_space<hbm>>, %arg5: memref<576xi32, #tpu.memory_space<vmem>>, %arg6: memref<576x128xf32, #tpu.memory_space<vmem>>, %arg7: memref<!tpu.dma_semaphore, #tpu.memory_space<semaphore_mem>>) attributes {dimension_semantics = [#tpu.dimension_semantics<core_parallel>, #tpu.dimension_semantics<subcore_parallel>], iteration_bounds = array<i64: 2, 16>, scalar_prefetch = 0 : i64, scratch_operands = 3 : i64, tpu.core_type = #tpu.core_type<sc_vector_subcore>, window_params = [{transform_indices = #map}, {transform_indices = #map1}, {transform_indices = #map}]} {
    %mul3A = arith.constant 2 : i32
    %mul3A_0 = arith.muli %arg1, %mul3A : i32
    %add3A = arith.addi %mul3A_0, %arg0 : i32
    %mul3A_1 = arith.constant 576 : i32
    %mul3A_2 = arith.muli %add3A, %mul3A_1 : i32
    "tpu.region"() ({
      %run_scoped3A = tpu.sem_alloc : memref<!tpu.dma_semaphore, #tpu.memory_space<semaphore_mem>>
      %dma_start3A_7 = tpu.memref_slice %arg3[%mul3A_2] : memref<18432xi32, #tpu.memory_space<hbm>> -> memref<576xi32, #tpu.memory_space<hbm>>
      %dma_start3A_8 = tpu.memref_slice %arg3[%mul3A_2] : memref<18432xi32, #tpu.memory_space<hbm>> -> memref<576xi32, #tpu.memory_space<hbm>>
      tpu.enqueue_dma source(%dma_start3A_8 : memref<576xi32, #tpu.memory_space<hbm>>) target(%arg5 : memref<576xi32, #tpu.memory_space<vmem>>) target_semaphore(%run_scoped3A : memref<!tpu.dma_semaphore, #tpu.memory_space<semaphore_mem>>)
      %dma_wait3A_9 = tpu.memref_slice %arg3[%mul3A_2] : memref<18432xi32, #tpu.memory_space<hbm>> -> memref<576xi32, #tpu.memory_space<hbm>>
      %dma_wait3A_10 = tpu.memref_slice %arg3[%mul3A_2] : memref<18432xi32, #tpu.memory_space<hbm>> -> memref<576xi32, #tpu.memory_space<hbm>>
      tpu.wait_dma2 semaphore(%run_scoped3A : memref<!tpu.dma_semaphore, #tpu.memory_space<semaphore_mem>>) src(%dma_wait3A_10 : memref<576xi32, #tpu.memory_space<hbm>>) dst(%arg5 : memref<576xi32, #tpu.memory_space<vmem>>)
      tpu.yield
    }) : () -> ()
    %dma_start3A = arith.constant 0 : i32
    %dma_start3A_3 = arith.constant 0 : i32
    %dma_start3A_4 = tpu.memref_slice %arg2[%dma_start3A, %dma_start3A_3] : memref<1024x128xf32, #tpu.memory_space<hbm>> -> memref<1024x128xf32, #tpu.memory_space<hbm>>
    tpu.enqueue_indirect_dma source(%dma_start3A_4 : memref<1024x128xf32, #tpu.memory_space<hbm>>) target(%arg6 : memref<576x128xf32, #tpu.memory_space<vmem>>) offsets(%arg5 : memref<576xi32, #tpu.memory_space<vmem>>) semaphore(%arg7 : memref<!tpu.dma_semaphore, #tpu.memory_space<semaphore_mem>>)
    %dma_wait3A = arith.constant 0 : i32
    %dma_wait3A_5 = arith.constant 0 : i32
    %dma_wait3A_6 = tpu.memref_slice %arg2[%dma_wait3A, %dma_wait3A_5] : memref<1024x128xf32, #tpu.memory_space<hbm>> -> memref<1024x128xf32, #tpu.memory_space<hbm>>
    tpu.wait_indirect_dma semaphore(%arg7 : memref<!tpu.dma_semaphore, #tpu.memory_space<semaphore_mem>>) src(%dma_wait3A_6 : memref<1024x128xf32, #tpu.memory_space<hbm>>) dst(%arg6 : memref<576x128xf32, #tpu.memory_space<vmem>>)
    "tpu.region"() ({
      %run_scoped3A = tpu.sem_alloc : memref<!tpu.dma_semaphore, #tpu.memory_space<semaphore_mem>>
      %dma_start3A_7 = arith.constant 0 : i32
      %dma_start3A_8 = tpu.memref_slice %arg4[%mul3A_2, %dma_start3A_7] : memref<18432x128xf32, #tpu.memory_space<hbm>> -> memref<576x128xf32, #tpu.memory_space<hbm>>
      %dma_start3A_9 = arith.constant 0 : i32
      %dma_start3A_10 = tpu.memref_slice %arg4[%mul3A_2, %dma_start3A_9] : memref<18432x128xf32, #tpu.memory_space<hbm>> -> memref<576x128xf32, #tpu.memory_space<hbm>>
      tpu.enqueue_dma source(%arg6 : memref<576x128xf32, #tpu.memory_space<vmem>>) target(%dma_start3A_10 : memref<576x128xf32, #tpu.memory_space<hbm>>) target_semaphore(%run_scoped3A : memref<!tpu.dma_semaphore, #tpu.memory_space<semaphore_mem>>)
      %dma_wait3A_11 = arith.constant 0 : i32
      %dma_wait3A_12 = tpu.memref_slice %arg4[%mul3A_2, %dma_wait3A_11] : memref<18432x128xf32, #tpu.memory_space<hbm>> -> memref<576x128xf32, #tpu.memory_space<hbm>>
      %dma_wait3A_13 = arith.constant 0 : i32
      %dma_wait3A_14 = tpu.memref_slice %arg4[%mul3A_2, %dma_wait3A_13] : memref<18432x128xf32, #tpu.memory_space<hbm>> -> memref<576x128xf32, #tpu.memory_space<hbm>>
      tpu.wait_dma2 semaphore(%run_scoped3A : memref<!tpu.dma_semaphore, #tpu.memory_space<semaphore_mem>>) src(%arg6 : memref<576x128xf32, #tpu.memory_space<vmem>>) dst(%dma_wait3A_14 : memref<576x128xf32, #tpu.memory_space<hbm>>)
      tpu.yield
    }) : () -> ()
    return
  }
}

#map = affine_map<(d0, d1) -> (0, 0)>
#map1 = affine_map<(d0, d1) -> (0)>
module attributes {stable_mosaic.version = 14 : i64} {
  func.func @gather(%arg0: i32, %arg1: i32, %arg2: memref<1024x128xf32, #tpu.memory_space<hbm>>, %arg3: memref<18432xi32, #tpu.memory_space<hbm>>, %arg4: memref<18432x128xf32, #tpu.memory_space<hbm>>, %arg5: memref<576xi32, #tpu.memory_space<vmem>>, %arg6: memref<576x128xf32, #tpu.memory_space<vmem>>, %arg7: memref<!tpu.dma_semaphore, #tpu.memory_space<semaphore_mem>>) attributes {dimension_semantics = [#tpu.dimension_semantics<core_parallel>, #tpu.dimension_semantics<subcore_parallel>], iteration_bounds = array<i64: 2, 16>, scalar_prefetch = 0 : i64, scratch_operands = 3 : i64, tpu.core_type = #tpu.core_type<sc_vector_subcore>, window_params = [{transform_indices = #map}, {transform_indices = #map1}, {transform_indices = #map}]} {
    %mul3A = arith.constant 2 : i32
    %mul3A_0 = arith.muli %arg1, %mul3A : i32
    %add3A = arith.addi %mul3A_0, %arg0 : i32
    %mul3A_1 = arith.constant 576 : i32
    %mul3A_2 = arith.muli %add3A, %mul3A_1 : i32
    "tpu.region"() ({
      %run_scoped3A = tpu.sem_alloc : memref<!tpu.dma_semaphore, #tpu.memory_space<semaphore_mem>>
      %dma_start3A_7 = tpu.memref_slice %arg3[%mul3A_2] : memref<18432xi32, #tpu.memory_space<hbm>> -> memref<576xi32, #tpu.memory_space<hbm>>
      %dma_start3A_8 = tpu.memref_slice %arg3[%mul3A_2] : memref<18432xi32, #tpu.memory_space<hbm>> -> memref<576xi32, #tpu.memory_space<hbm>>
      tpu.enqueue_dma source(%dma_start3A_8 : memref<576xi32, #tpu.memory_space<hbm>>) target(%arg5 : memref<576xi32, #tpu.memory_space<vmem>>) target_semaphore(%run_scoped3A : memref<!tpu.dma_semaphore, #tpu.memory_space<semaphore_mem>>)
      %dma_wait3A_9 = tpu.memref_slice %arg3[%mul3A_2] : memref<18432xi32, #tpu.memory_space<hbm>> -> memref<576xi32, #tpu.memory_space<hbm>>
      %dma_wait3A_10 = tpu.memref_slice %arg3[%mul3A_2] : memref<18432xi32, #tpu.memory_space<hbm>> -> memref<576xi32, #tpu.memory_space<hbm>>
      tpu.wait_dma2 semaphore(%run_scoped3A : memref<!tpu.dma_semaphore, #tpu.memory_space<semaphore_mem>>) src(%dma_wait3A_10 : memref<576xi32, #tpu.memory_space<hbm>>) dst(%arg5 : memref<576xi32, #tpu.memory_space<vmem>>)
      tpu.yield
    }) : () -> ()
    %dma_start3A = arith.constant 0 : i32
    %dma_start3A_3 = arith.constant 0 : i32
    %dma_start3A_4 = tpu.memref_slice %arg2[%dma_start3A, %dma_start3A_3] : memref<1024x128xf32, #tpu.memory_space<hbm>> -> memref<1024x128xf32, #tpu.memory_space<hbm>>
    tpu.enqueue_indirect_dma source(%dma_start3A_4 : memref<1024x128xf32, #tpu.memory_space<hbm>>) target(%arg6 : memref<576x128xf32, #tpu.memory_space<vmem>>) offsets(%arg5 : memref<576xi32, #tpu.memory_space<vmem>>) semaphore(%arg7 : memref<!tpu.dma_semaphore, #tpu.memory_space<semaphore_mem>>)
    %dma_wait3A = arith.constant 0 : i32
    %dma_wait3A_5 = arith.constant 0 : i32
    %dma_wait3A_6 = tpu.memref_slice %arg2[%dma_wait3A, %dma_wait3A_5] : memref<1024x128xf32, #tpu.memory_space<hbm>> -> memref<1024x128xf32, #tpu.memory_space<hbm>>
    tpu.wait_indirect_dma semaphore(%arg7 : memref<!tpu.dma_semaphore, #tpu.memory_space<semaphore_mem>>) src(%dma_wait3A_6 : memref<1024x128xf32, #tpu.memory_space<hbm>>) dst(%arg6 : memref<576x128xf32, #tpu.memory_space<vmem>>)
    "tpu.region"() ({
      %run_scoped3A = tpu.sem_alloc : memref<!tpu.dma_semaphore, #tpu.memory_space<semaphore_mem>>
      %dma_start3A_7 = arith.constant 0 : i32
      %dma_start3A_8 = tpu.memref_slice %arg4[%mul3A_2, %dma_start3A_7] : memref<18432x128xf32, #tpu.memory_space<hbm>> -> memref<576x128xf32, #tpu.memory_space<hbm>>
      %dma_start3A_9 = arith.constant 0 : i32
      %dma_start3A_10 = tpu.memref_slice %arg4[%mul3A_2, %dma_start3A_9] : memref<18432x128xf32, #tpu.memory_space<hbm>> -> memref<576x128xf32, #tpu.memory_space<hbm>>
      tpu.enqueue_dma source(%arg6 : memref<576x128xf32, #tpu.memory_space<vmem>>) target(%dma_start3A_10 : memref<576x128xf32, #tpu.memory_space<hbm>>) target_semaphore(%run_scoped3A : memref<!tpu.dma_semaphore, #tpu.memory_space<semaphore_mem>>)
      %dma_wait3A_11 = arith.constant 0 : i32
      %dma_wait3A_12 = tpu.memref_slice %arg4[%mul3A_2, %dma_wait3A_11] : memref<18432x128xf32, #tpu.memory_space<hbm>> -> memref<576x128xf32, #tpu.memory_space<hbm>>
      %dma_wait3A_13 = arith.constant 0 : i32
      %dma_wait3A_14 = tpu.memref_slice %arg4[%mul3A_2, %dma_wait3A_13] : memref<18432x128xf32, #tpu.memory_space<hbm>> -> memref<576x128xf32, #tpu.memory_space<hbm>>
      tpu.wait_dma2 semaphore(%run_scoped3A : memref<!tpu.dma_semaphore, #tpu.memory_space<semaphore_mem>>) src(%arg6 : memref<576x128xf32, #tpu.memory_space<vmem>>) dst(%dma_wait3A_14 : memref<576x128xf32, #tpu.memory_space<hbm>>)
      tpu.yield
    }) : () -> ()
    return
  }
}

#map = affine_map<(d0, d1) -> (0, 0)>
#map1 = affine_map<(d0, d1) -> (0)>
module attributes {stable_mosaic.version = 14 : i64} {
  func.func @gather(%arg0: i32, %arg1: i32, %arg2: memref<1024x128xf32, #tpu.memory_space<hbm>>, %arg3: memref<18432xi32, #tpu.memory_space<hbm>>, %arg4: memref<18432x128xf32, #tpu.memory_space<hbm>>, %arg5: memref<576xi32, #tpu.memory_space<vmem>>, %arg6: memref<576x128xf32, #tpu.memory_space<vmem>>, %arg7: memref<!tpu.dma_semaphore, #tpu.memory_space<semaphore_mem>>) attributes {dimension_semantics = [#tpu.dimension_semantics<core_parallel>, #tpu.dimension_semantics<subcore_parallel>], iteration_bounds = array<i64: 2, 16>, scalar_prefetch = 0 : i64, scratch_operands = 3 : i64, tpu.core_type = #tpu.core_type<sc_vector_subcore>, window_params = [{transform_indices = #map}, {transform_indices = #map1}, {transform_indices = #map}]} {
    %mul3A = arith.constant 2 : i32
    %mul3A_0 = arith.muli %arg1, %mul3A : i32
    %add3A = arith.addi %mul3A_0, %arg0 : i32
    %mul3A_1 = arith.constant 576 : i32
    %mul3A_2 = arith.muli %add3A, %mul3A_1 : i32
    "tpu.region"() ({
      %run_scoped3A = tpu.sem_alloc : memref<!tpu.dma_semaphore, #tpu.memory_space<semaphore_mem>>
      %dma_start3A_7 = tpu.memref_slice %arg3[%mul3A_2] : memref<18432xi32, #tpu.memory_space<hbm>> -> memref<576xi32, #tpu.memory_space<hbm>>
      %dma_start3A_8 = tpu.memref_slice %arg3[%mul3A_2] : memref<18432xi32, #tpu.memory_space<hbm>> -> memref<576xi32, #tpu.memory_space<hbm>>
      tpu.enqueue_dma source(%dma_start3A_8 : memref<576xi32, #tpu.memory_space<hbm>>) target(%arg5 : memref<576xi32, #tpu.memory_space<vmem>>) target_semaphore(%run_scoped3A : memref<!tpu.dma_semaphore, #tpu.memory_space<semaphore_mem>>)
      %dma_wait3A_9 = tpu.memref_slice %arg3[%mul3A_2] : memref<18432xi32, #tpu.memory_space<hbm>> -> memref<576xi32, #tpu.memory_space<hbm>>
      %dma_wait3A_10 = tpu.memref_slice %arg3[%mul3A_2] : memref<18432xi32, #tpu.memory_space<hbm>> -> memref<576xi32, #tpu.memory_space<hbm>>
      tpu.wait_dma2 semaphore(%run_scoped3A : memref<!tpu.dma_semaphore, #tpu.memory_space<semaphore_mem>>) src(%dma_wait3A_10 : memref<576xi32, #tpu.memory_space<hbm>>) dst(%arg5 : memref<576xi32, #tpu.memory_space<vmem>>)
      tpu.yield
    }) : () -> ()
    %dma_start3A = arith.constant 0 : i32
    %dma_start3A_3 = arith.constant 0 : i32
    %dma_start3A_4 = tpu.memref_slice %arg2[%dma_start3A, %dma_start3A_3] : memref<1024x128xf32, #tpu.memory_space<hbm>> -> memref<1024x128xf32, #tpu.memory_space<hbm>>
    tpu.enqueue_indirect_dma source(%dma_start3A_4 : memref<1024x128xf32, #tpu.memory_space<hbm>>) target(%arg6 : memref<576x128xf32, #tpu.memory_space<vmem>>) offsets(%arg5 : memref<576xi32, #tpu.memory_space<vmem>>) semaphore(%arg7 : memref<!tpu.dma_semaphore, #tpu.memory_space<semaphore_mem>>)
    %dma_wait3A = arith.constant 0 : i32
    %dma_wait3A_5 = arith.constant 0 : i32
    %dma_wait3A_6 = tpu.memref_slice %arg2[%dma_wait3A, %dma_wait3A_5] : memref<1024x128xf32, #tpu.memory_space<hbm>> -> memref<1024x128xf32, #tpu.memory_space<hbm>>
    tpu.wait_indirect_dma semaphore(%arg7 : memref<!tpu.dma_semaphore, #tpu.memory_space<semaphore_mem>>) src(%dma_wait3A_6 : memref<1024x128xf32, #tpu.memory_space<hbm>>) dst(%arg6 : memref<576x128xf32, #tpu.memory_space<vmem>>)
    "tpu.region"() ({
      %run_scoped3A = tpu.sem_alloc : memref<!tpu.dma_semaphore, #tpu.memory_space<semaphore_mem>>
      %dma_start3A_7 = arith.constant 0 : i32
      %dma_start3A_8 = tpu.memref_slice %arg4[%mul3A_2, %dma_start3A_7] : memref<18432x128xf32, #tpu.memory_space<hbm>> -> memref<576x128xf32, #tpu.memory_space<hbm>>
      %dma_start3A_9 = arith.constant 0 : i32
      %dma_start3A_10 = tpu.memref_slice %arg4[%mul3A_2, %dma_start3A_9] : memref<18432x128xf32, #tpu.memory_space<hbm>> -> memref<576x128xf32, #tpu.memory_space<hbm>>
      tpu.enqueue_dma source(%arg6 : memref<576x128xf32, #tpu.memory_space<vmem>>) target(%dma_start3A_10 : memref<576x128xf32, #tpu.memory_space<hbm>>) target_semaphore(%run_scoped3A : memref<!tpu.dma_semaphore, #tpu.memory_space<semaphore_mem>>)
      %dma_wait3A_11 = arith.constant 0 : i32
      %dma_wait3A_12 = tpu.memref_slice %arg4[%mul3A_2, %dma_wait3A_11] : memref<18432x128xf32, #tpu.memory_space<hbm>> -> memref<576x128xf32, #tpu.memory_space<hbm>>
      %dma_wait3A_13 = arith.constant 0 : i32
      %dma_wait3A_14 = tpu.memref_slice %arg4[%mul3A_2, %dma_wait3A_13] : memref<18432x128xf32, #tpu.memory_space<hbm>> -> memref<576x128xf32, #tpu.memory_space<hbm>>
      tpu.wait_dma2 semaphore(%run_scoped3A : memref<!tpu.dma_semaphore, #tpu.memory_space<semaphore_mem>>) src(%arg6 : memref<576x128xf32, #tpu.memory_space<vmem>>) dst(%dma_wait3A_14 : memref<576x128xf32, #tpu.memory_space<hbm>>)
      tpu.yield
    }) : () -> ()
    return
  }
}

#map = affine_map<(d0, d1) -> (0, 0)>
#map1 = affine_map<(d0, d1) -> (0)>
module attributes {stable_mosaic.version = 14 : i64} {
  func.func @gather(%arg0: i32, %arg1: i32, %arg2: memref<1024x128xf32, #tpu.memory_space<hbm>>, %arg3: memref<18432xi32, #tpu.memory_space<hbm>>, %arg4: memref<18432x128xf32, #tpu.memory_space<hbm>>, %arg5: memref<576xi32, #tpu.memory_space<vmem>>, %arg6: memref<576x128xf32, #tpu.memory_space<vmem>>, %arg7: memref<!tpu.dma_semaphore, #tpu.memory_space<semaphore_mem>>) attributes {dimension_semantics = [#tpu.dimension_semantics<core_parallel>, #tpu.dimension_semantics<subcore_parallel>], iteration_bounds = array<i64: 2, 16>, scalar_prefetch = 0 : i64, scratch_operands = 3 : i64, tpu.core_type = #tpu.core_type<sc_vector_subcore>, window_params = [{transform_indices = #map}, {transform_indices = #map1}, {transform_indices = #map}]} {
    %mul3A = arith.constant 2 : i32
    %mul3A_0 = arith.muli %arg1, %mul3A : i32
    %add3A = arith.addi %mul3A_0, %arg0 : i32
    %mul3A_1 = arith.constant 576 : i32
    %mul3A_2 = arith.muli %add3A, %mul3A_1 : i32
    "tpu.region"() ({
      %run_scoped3A = tpu.sem_alloc : memref<!tpu.dma_semaphore, #tpu.memory_space<semaphore_mem>>
      %dma_start3A_7 = tpu.memref_slice %arg3[%mul3A_2] : memref<18432xi32, #tpu.memory_space<hbm>> -> memref<576xi32, #tpu.memory_space<hbm>>
      %dma_start3A_8 = tpu.memref_slice %arg3[%mul3A_2] : memref<18432xi32, #tpu.memory_space<hbm>> -> memref<576xi32, #tpu.memory_space<hbm>>
      tpu.enqueue_dma source(%dma_start3A_8 : memref<576xi32, #tpu.memory_space<hbm>>) target(%arg5 : memref<576xi32, #tpu.memory_space<vmem>>) target_semaphore(%run_scoped3A : memref<!tpu.dma_semaphore, #tpu.memory_space<semaphore_mem>>)
      %dma_wait3A_9 = tpu.memref_slice %arg3[%mul3A_2] : memref<18432xi32, #tpu.memory_space<hbm>> -> memref<576xi32, #tpu.memory_space<hbm>>
      %dma_wait3A_10 = tpu.memref_slice %arg3[%mul3A_2] : memref<18432xi32, #tpu.memory_space<hbm>> -> memref<576xi32, #tpu.memory_space<hbm>>
      tpu.wait_dma2 semaphore(%run_scoped3A : memref<!tpu.dma_semaphore, #tpu.memory_space<semaphore_mem>>) src(%dma_wait3A_10 : memref<576xi32, #tpu.memory_space<hbm>>) dst(%arg5 : memref<576xi32, #tpu.memory_space<vmem>>)
      tpu.yield
    }) : () -> ()
    %dma_start3A = arith.constant 0 : i32
    %dma_start3A_3 = arith.constant 0 : i32
    %dma_start3A_4 = tpu.memref_slice %arg2[%dma_start3A, %dma_start3A_3] : memref<1024x128xf32, #tpu.memory_space<hbm>> -> memref<1024x128xf32, #tpu.memory_space<hbm>>
    tpu.enqueue_indirect_dma source(%dma_start3A_4 : memref<1024x128xf32, #tpu.memory_space<hbm>>) target(%arg6 : memref<576x128xf32, #tpu.memory_space<vmem>>) offsets(%arg5 : memref<576xi32, #tpu.memory_space<vmem>>) semaphore(%arg7 : memref<!tpu.dma_semaphore, #tpu.memory_space<semaphore_mem>>)
    %dma_wait3A = arith.constant 0 : i32
    %dma_wait3A_5 = arith.constant 0 : i32
    %dma_wait3A_6 = tpu.memref_slice %arg2[%dma_wait3A, %dma_wait3A_5] : memref<1024x128xf32, #tpu.memory_space<hbm>> -> memref<1024x128xf32, #tpu.memory_space<hbm>>
    tpu.wait_indirect_dma semaphore(%arg7 : memref<!tpu.dma_semaphore, #tpu.memory_space<semaphore_mem>>) src(%dma_wait3A_6 : memref<1024x128xf32, #tpu.memory_space<hbm>>) dst(%arg6 : memref<576x128xf32, #tpu.memory_space<vmem>>)
    "tpu.region"() ({
      %run_scoped3A = tpu.sem_alloc : memref<!tpu.dma_semaphore, #tpu.memory_space<semaphore_mem>>
      %dma_start3A_7 = arith.constant 0 : i32
      %dma_start3A_8 = tpu.memref_slice %arg4[%mul3A_2, %dma_start3A_7] : memref<18432x128xf32, #tpu.memory_space<hbm>> -> memref<576x128xf32, #tpu.memory_space<hbm>>
      %dma_start3A_9 = arith.constant 0 : i32
      %dma_start3A_10 = tpu.memref_slice %arg4[%mul3A_2, %dma_start3A_9] : memref<18432x128xf32, #tpu.memory_space<hbm>> -> memref<576x128xf32, #tpu.memory_space<hbm>>
      tpu.enqueue_dma source(%arg6 : memref<576x128xf32, #tpu.memory_space<vmem>>) target(%dma_start3A_10 : memref<576x128xf32, #tpu.memory_space<hbm>>) target_semaphore(%run_scoped3A : memref<!tpu.dma_semaphore, #tpu.memory_space<semaphore_mem>>)
      %dma_wait3A_11 = arith.constant 0 : i32
      %dma_wait3A_12 = tpu.memref_slice %arg4[%mul3A_2, %dma_wait3A_11] : memref<18432x128xf32, #tpu.memory_space<hbm>> -> memref<576x128xf32, #tpu.memory_space<hbm>>
      %dma_wait3A_13 = arith.constant 0 : i32
      %dma_wait3A_14 = tpu.memref_slice %arg4[%mul3A_2, %dma_wait3A_13] : memref<18432x128xf32, #tpu.memory_space<hbm>> -> memref<576x128xf32, #tpu.memory_space<hbm>>
      tpu.wait_dma2 semaphore(%run_scoped3A : memref<!tpu.dma_semaphore, #tpu.memory_space<semaphore_mem>>) src(%arg6 : memref<576x128xf32, #tpu.memory_space<vmem>>) dst(%dma_wait3A_14 : memref<576x128xf32, #tpu.memory_space<hbm>>)
      tpu.yield
    }) : () -> ()
    return
  }
}

module attributes {stable_mosaic.version = 14 : i64} {
  func.func @_tc_stage_kernel(%arg0: i32, %arg1: memref<3072x128xf32, #tpu.memory_space<vmem>>, %arg2: memref<3072x128xf32, #tpu.memory_space<vmem>>, %arg3: memref<1024x128xf32, #tpu.memory_space<vmem>>, %arg4: memref<3072x128xf32, #tpu.memory_space<vmem>>, %arg5: memref<1x1x3072xi32, #tpu.memory_space<vmem>>, %arg6: memref<1x1xf32, #tpu.memory_space<vmem>>, %arg7: memref<1x1024xf32, #tpu.memory_space<vmem>>) attributes {dimension_semantics = [#tpu.dimension_semantics<arbitrary>], iteration_bounds = array<i64: 6>, scalar_prefetch = 0 : i64, scratch_operands = 1 : i64, tpu.core_type = #tpu.core_type<tc>, window_params = [{transform_indices = @transform_0, window_bounds = array<i64: 3072, 128>}, {transform_indices = @transform_1, window_bounds = array<i64: 3072, 128>}, {pipeline_mode = #tpu.pipeline_mode<synchronous>, transform_indices = @transform_2, window_bounds = array<i64: 1024, 128>}, {transform_indices = @transform_3, window_bounds = array<i64: 3072, 128>}, {transform_indices = @transform_4, window_bounds = array<i64: 1, 1, 3072>}, {pipeline_mode = #tpu.pipeline_mode<synchronous>, transform_indices = @transform_5, window_bounds = array<i64: 1, 1>}]} {
    %eq3A = arith.constant 0 : i32
    %eq3A_0 = arith.cmpi eq, %arg0, %eq3A : i32
    %convert_element_type3A = arith.extui %eq3A_0 : i1 to i32
    %cond3A = arith.constant 0 : i32
    %cond3A_1 = arith.cmpi ne, %convert_element_type3A, %cond3A : i32
    scf.if %cond3A_1 {
      %get3A_54 = arith.constant 0 : index
      %get3A_55 = arith.constant 0 : index
      %get3A_56 = vector.load %arg3[%get3A_54, %get3A_55] : memref<1024x128xf32, #tpu.memory_space<vmem>>, vector<1024x128xf32>
      %mul3A_57 = arith.mulf %get3A_56, %get3A_56 : vector<1024x128xf32>
      %reduce_sum3A_58 = arith.constant dense<0.000000e+00> : vector<1024xf32>
      %reduce_sum3A_59 = vector.multi_reduction <add>, %mul3A_57, %reduce_sum3A_58 [1] : vector<1024x128xf32> to vector<1024xf32>
      %swap3A_60 = arith.constant 0 : index
      %swap3A_61 = arith.constant 0 : index
      %swap3A_62 = vector.load %arg7[%swap3A_60, %swap3A_61] : memref<1x1024xf32, #tpu.memory_space<vmem>>, vector<1x1024xf32>
      %swap3A_63 = vector.shape_cast %swap3A_62 : vector<1x1024xf32> to vector<1024xf32>
      %swap3A_64 = vector.shape_cast %reduce_sum3A_59 : vector<1024xf32> to vector<1x1024xf32>
      tpu.vector_store %arg7[%swap3A_60, %swap3A_61], %swap3A_64 {strides = array<i32>} : memref<1x1024xf32, #tpu.memory_space<vmem>>, vector<1x1024xf32>,
    } else {
    }
    %get3A = arith.constant 0 : index
    %get3A_2 = arith.constant 0 : index
    %get3A_3 = vector.load %arg1[%get3A, %get3A_2] : memref<3072x128xf32, #tpu.memory_space<vmem>>, vector<3072x128xf32>
    %get3A_4 = arith.constant 0 : index
    %get3A_5 = arith.constant 0 : index
    %get3A_6 = vector.load %arg2[%get3A_4, %get3A_5] : memref<3072x128xf32, #tpu.memory_space<vmem>>, vector<3072x128xf32>
    %sub3A = arith.subf %get3A_3, %get3A_6 : vector<3072x128xf32>
    %mul3A = arith.mulf %sub3A, %sub3A : vector<3072x128xf32>
    %reduce_sum3A = arith.constant dense<0.000000e+00> : vector<3072xf32>
    %reduce_sum3A_7 = vector.multi_reduction <add>, %mul3A, %reduce_sum3A [1] : vector<3072x128xf32> to vector<3072xf32>
    %broadcast_in_dim3A = vector.shape_cast %reduce_sum3A_7 : vector<3072xf32> to vector<3072x1xf32>
    %mul3A_8 = arith.constant -2.000000e+00 : f32
    %mul3A_9 = vector.broadcast %mul3A_8 : f32 to vector<3072x128xf32>
    %mul3A_10 = arith.mulf %sub3A, %mul3A_9 : vector<3072x128xf32>
    %get3A_11 = arith.constant 0 : index
    %get3A_12 = arith.constant 0 : index
    %get3A_13 = vector.load %arg3[%get3A_11, %get3A_12] : memref<1024x128xf32, #tpu.memory_space<vmem>>, vector<1024x128xf32>
    %dot_general3A = arith.constant dense<0.000000e+00> : vector<3072x1024xf32>
    %dot_general3A_14 = tpu.matmul %mul3A_10, %get3A_13, %dot_general3A {dimension_numbers = #tpu.dot_dimension_numbers<[1], [1], [0], [0], [0, 0, 1, 0], [], []>, transpose_lhs_hint = false} : vector<3072x128xf32>, vector<1024x128xf32>, vector<3072x1024xf32> -> vector<3072x1024xf32>
    %add3A = vector.broadcast %broadcast_in_dim3A : vector<3072x1xf32> to vector<3072x1024xf32>
    %add3A_15 = arith.addf %add3A, %dot_general3A_14 : vector<3072x1024xf32>
    %get3A_16 = arith.constant 0 : index
    %get3A_17 = arith.constant 0 : index
    %get3A_18 = vector.load %arg7[%get3A_16, %get3A_17] : memref<1x1024xf32, #tpu.memory_space<vmem>>, vector<1x1024xf32>
    %get3A_19 = vector.shape_cast %get3A_18 : vector<1x1024xf32> to vector<1024xf32>
    %broadcast_in_dim3A_20 = vector.shape_cast %get3A_19 : vector<1024xf32> to vector<1x1024xf32>
    %add3A_21 = vector.broadcast %broadcast_in_dim3A_20 : vector<1x1024xf32> to vector<3072x1024xf32>
    %add3A_22 = arith.addf %add3A_15, %add3A_21 : vector<3072x1024xf32>
    %iota3A = tpu.iota {dimensions = array<i32: 1>} : vector<3072x1024xi32>
    %reduce_min3A = arith.constant dense<0x7F800000> : vector<3072xf32>
    %reduce_min3A_23 = vector.multi_reduction <minimumf>, %add3A_22, %reduce_min3A [1] : vector<3072x1024xf32> to vector<3072xf32>
    %broadcast_in_dim3A_24 = vector.shape_cast %reduce_min3A_23 : vector<3072xf32> to vector<3072x1xf32>
    %le3A = vector.broadcast %broadcast_in_dim3A_24 : vector<3072x1xf32> to vector<3072x1024xf32>
    %le3A_25 = arith.cmpf ole, %add3A_22, %le3A : vector<3072x1024xf32>
    %jit3A = arith.constant 1024 : i32
    %broadcast_in_dim3A_26 = vector.broadcast %jit3A : i32 to vector<3072x1024xi32>
    %select_n3A = arith.select %le3A_25, %iota3A, %broadcast_in_dim3A_26 : vector<3072x1024xi1>, vector<3072x1024xi32>
    %reduce_min3A_27 = arith.constant dense<2147483647> : vector<3072xi32>
    %reduce_min3A_28 = vector.multi_reduction <minsi>, %select_n3A, %reduce_min3A_27 [1] : vector<3072x1024xi32> to vector<3072xi32>
    %swap3A = arith.constant 0 : index
    %swap3A_29 = arith.constant 0 : index
    %swap3A_30 = vector.load %arg4[%swap3A, %swap3A_29] : memref<3072x128xf32, #tpu.memory_space<vmem>>, vector<3072x128xf32>
    tpu.vector_store %arg4[%swap3A, %swap3A_29], %sub3A {strides = array<i32>} : memref<3072x128xf32, #tpu.memory_space<vmem>>, vector<3072x128xf32>,
    %swap3A_31 = arith.constant 0 : index
    %swap3A_32 = arith.constant 0 : index
    %swap3A_33 = arith.constant 0 : index
    %swap3A_34 = vector.load %arg5[%swap3A_31, %swap3A_32, %swap3A_33] : memref<1x1x3072xi32, #tpu.memory_space<vmem>>, vector<1x1x3072xi32>
    %swap3A_35 = vector.shape_cast %swap3A_34 : vector<1x1x3072xi32> to vector<3072xi32>
    %swap3A_36 = vector.shape_cast %reduce_min3A_28 : vector<3072xi32> to vector<1x1x3072xi32>
    tpu.vector_store %arg5[%swap3A_31, %swap3A_32, %swap3A_33], %swap3A_36 {strides = array<i32>} : memref<1x1x3072xi32, #tpu.memory_space<vmem>>, vector<1x1x3072xi32>,
    %reduce_sum3A_37 = vector.shape_cast %broadcast_in_dim3A : vector<3072x1xf32> to vector<1x3072x1xf32>
    %reduce_sum3A_38 = arith.constant dense<0.000000e+00> : vector<1xf32>
    %reduce_sum3A_39 = vector.multi_reduction <add>, %reduce_sum3A_37, %reduce_sum3A_38 [1, 2] : vector<1x3072x1xf32> to vector<1xf32>
    %reduce_sum3A_40 = vector.shape_cast %reduce_sum3A_39 : vector<1xf32> to vector<1x1x1xf32>
    %reduce_sum3A_41 = vector.extract %reduce_sum3A_40[0, 0, 0] : f32 from vector<1x1x1xf32>
    %reshape3A = vector.broadcast %reduce_sum3A_41 : f32 to vector<1x1xf32>
    %eq3A_42 = arith.constant 0 : i32
    %eq3A_43 = arith.cmpi eq, %arg0, %eq3A_42 : i32
    %convert_element_type3A_44 = arith.extui %eq3A_43 : i1 to i32
    %cond3A_45 = arith.constant 0 : i32
    %cond3A_46 = arith.cmpi ne, %convert_element_type3A_44, %cond3A_45 : i32
    scf.if %cond3A_46 {
      %broadcast_in_dim3A_54 = arith.constant 0.000000e+00 : f32
      %broadcast_in_dim3A_55 = vector.broadcast %broadcast_in_dim3A_54 : f32 to vector<1x1xf32>
      %swap3A_56 = arith.constant 0 : index
      %swap3A_57 = arith.constant 0 : index
      %swap3A_58 = vector.load %arg6[%swap3A_56, %swap3A_57] : memref<1x1xf32, #tpu.memory_space<vmem>>, vector<1x1xf32>
      tpu.vector_store %arg6[%swap3A_56, %swap3A_57], %broadcast_in_dim3A_55 {strides = array<i32>} : memref<1x1xf32, #tpu.memory_space<vmem>>, vector<1x1xf32>,
    } else {
    }
    %get3A_47 = arith.constant 0 : index
    %get3A_48 = arith.constant 0 : index
    %get3A_49 = vector.load %arg6[%get3A_47, %get3A_48] : memref<1x1xf32, #tpu.memory_space<vmem>>, vector<1x1xf32>
    %add3A_50 = arith.addf %get3A_49, %reshape3A : vector<1x1xf32>
    %swap3A_51 = arith.constant 0 : index
    %swap3A_52 = arith.constant 0 : index
    %swap3A_53 = vector.load %arg6[%swap3A_51, %swap3A_52] : memref<1x1xf32, #tpu.memory_space<vmem>>, vector<1x1xf32>
    tpu.vector_store %arg6[%swap3A_51, %swap3A_52], %add3A_50 {strides = array<i32>} : memref<1x1xf32, #tpu.memory_space<vmem>>, vector<1x1xf32>,
    return
  }
  func.func @transform_0(%arg0: i32) -> (i32, i32) {
    %c0_i32 = arith.constant 0 : i32
    %c0_i32_0 = arith.constant 0 : i32
    return %arg0, %c0_i32 : i32, i32
  }
  func.func @transform_1(%arg0: i32) -> (i32, i32) {
    %c0_i32 = arith.constant 0 : i32
    %c0_i32_0 = arith.constant 0 : i32
    return %arg0, %c0_i32 : i32, i32
  }
  func.func @transform_2(%arg0: i32) -> (i32, i32) {
    %c0_i32 = arith.constant 0 : i32
    %c0_i32_0 = arith.constant 0 : i32
    %c0_i32_1 = arith.constant 0 : i32
    return %c0_i32, %c0_i32_0 : i32, i32
  }
  func.func @transform_3(%arg0: i32) -> (i32, i32) {
    %c0_i32 = arith.constant 0 : i32
    %c0_i32_0 = arith.constant 0 : i32
    return %arg0, %c0_i32 : i32, i32
  }
  func.func @transform_4(%arg0: i32) -> (i32, i32, i32) {
    %c0_i32 = arith.constant 0 : i32
    %c0_i32_0 = arith.constant 0 : i32
    %c0_i32_1 = arith.constant 0 : i32
    return %arg0, %c0_i32, %c0_i32_0 : i32, i32, i32
  }
  func.func @transform_5(%arg0: i32) -> (i32, i32) {
    %c0_i32 = arith.constant 0 : i32
    %c0_i32_0 = arith.constant 0 : i32
    %c0_i32_1 = arith.constant 0 : i32
    return %c0_i32, %c0_i32_0 : i32, i32
  }
}

module attributes {stable_mosaic.version = 14 : i64} {
  func.func @body(%arg0: i32, %arg1: memref<3072x128xf32, #tpu.memory_space<vmem>>, %arg2: memref<1024x128xf32, #tpu.memory_space<vmem>>, %arg3: memref<3072x128xf32, #tpu.memory_space<vmem>>, %arg4: memref<1x1x3072xi32, #tpu.memory_space<vmem>>, %arg5: memref<1x1xf32, #tpu.memory_space<vmem>>, %arg6: memref<1x1024xf32, #tpu.memory_space<vmem>>) attributes {dimension_semantics = [#tpu.dimension_semantics<arbitrary>], iteration_bounds = array<i64: 6>, scalar_prefetch = 0 : i64, scratch_operands = 1 : i64, tpu.core_type = #tpu.core_type<tc>, window_params = [{transform_indices = @transform_0, window_bounds = array<i64: 3072, 128>}, {pipeline_mode = #tpu.pipeline_mode<synchronous>, transform_indices = @transform_1, window_bounds = array<i64: 1024, 128>}, {transform_indices = @transform_2, window_bounds = array<i64: 3072, 128>}, {transform_indices = @transform_3, window_bounds = array<i64: 1, 1, 3072>}, {pipeline_mode = #tpu.pipeline_mode<synchronous>, transform_indices = @transform_4, window_bounds = array<i64: 1, 1>}]} {
    %eq3A = arith.constant 0 : i32
    %eq3A_0 = arith.cmpi eq, %arg0, %eq3A : i32
    %convert_element_type3A = arith.extui %eq3A_0 : i1 to i32
    %cond3A = arith.constant 0 : i32
    %cond3A_1 = arith.cmpi ne, %convert_element_type3A, %cond3A : i32
    scf.if %cond3A_1 {
      %get3A_51 = arith.constant 0 : index
      %get3A_52 = arith.constant 0 : index
      %get3A_53 = vector.load %arg2[%get3A_51, %get3A_52] : memref<1024x128xf32, #tpu.memory_space<vmem>>, vector<1024x128xf32>
      %mul3A_54 = arith.mulf %get3A_53, %get3A_53 : vector<1024x128xf32>
      %reduce_sum3A_55 = arith.constant dense<0.000000e+00> : vector<1024xf32>
      %reduce_sum3A_56 = vector.multi_reduction <add>, %mul3A_54, %reduce_sum3A_55 [1] : vector<1024x128xf32> to vector<1024xf32>
      %swap3A_57 = arith.constant 0 : index
      %swap3A_58 = arith.constant 0 : index
      %swap3A_59 = vector.load %arg6[%swap3A_57, %swap3A_58] : memref<1x1024xf32, #tpu.memory_space<vmem>>, vector<1x1024xf32>
      %swap3A_60 = vector.shape_cast %swap3A_59 : vector<1x1024xf32> to vector<1024xf32>
      %swap3A_61 = vector.shape_cast %reduce_sum3A_56 : vector<1024xf32> to vector<1x1024xf32>
      tpu.vector_store %arg6[%swap3A_57, %swap3A_58], %swap3A_61 {strides = array<i32>} : memref<1x1024xf32, #tpu.memory_space<vmem>>, vector<1x1024xf32>,
    } else {
    }
    %get3A = arith.constant 0 : index
    %get3A_2 = arith.constant 0 : index
    %get3A_3 = vector.load %arg1[%get3A, %get3A_2] : memref<3072x128xf32, #tpu.memory_space<vmem>>, vector<3072x128xf32>
    %mul3A = arith.mulf %get3A_3, %get3A_3 : vector<3072x128xf32>
    %reduce_sum3A = arith.constant dense<0.000000e+00> : vector<3072xf32>
    %reduce_sum3A_4 = vector.multi_reduction <add>, %mul3A, %reduce_sum3A [1] : vector<3072x128xf32> to vector<3072xf32>
    %broadcast_in_dim3A = vector.shape_cast %reduce_sum3A_4 : vector<3072xf32> to vector<3072x1xf32>
    %mul3A_5 = arith.constant -2.000000e+00 : f32
    %mul3A_6 = vector.broadcast %mul3A_5 : f32 to vector<3072x128xf32>
    %mul3A_7 = arith.mulf %get3A_3, %mul3A_6 : vector<3072x128xf32>
    %get3A_8 = arith.constant 0 : index
    %get3A_9 = arith.constant 0 : index
    %get3A_10 = vector.load %arg2[%get3A_8, %get3A_9] : memref<1024x128xf32, #tpu.memory_space<vmem>>, vector<1024x128xf32>
    %dot_general3A = arith.constant dense<0.000000e+00> : vector<3072x1024xf32>
    %dot_general3A_11 = tpu.matmul %mul3A_7, %get3A_10, %dot_general3A {dimension_numbers = #tpu.dot_dimension_numbers<[1], [1], [0], [0], [0, 0, 1, 0], [], []>, transpose_lhs_hint = false} : vector<3072x128xf32>, vector<1024x128xf32>, vector<3072x1024xf32> -> vector<3072x1024xf32>
    %add3A = vector.broadcast %broadcast_in_dim3A : vector<3072x1xf32> to vector<3072x1024xf32>
    %add3A_12 = arith.addf %add3A, %dot_general3A_11 : vector<3072x1024xf32>
    %get3A_13 = arith.constant 0 : index
    %get3A_14 = arith.constant 0 : index
    %get3A_15 = vector.load %arg6[%get3A_13, %get3A_14] : memref<1x1024xf32, #tpu.memory_space<vmem>>, vector<1x1024xf32>
    %get3A_16 = vector.shape_cast %get3A_15 : vector<1x1024xf32> to vector<1024xf32>
    %broadcast_in_dim3A_17 = vector.shape_cast %get3A_16 : vector<1024xf32> to vector<1x1024xf32>
    %add3A_18 = vector.broadcast %broadcast_in_dim3A_17 : vector<1x1024xf32> to vector<3072x1024xf32>
    %add3A_19 = arith.addf %add3A_12, %add3A_18 : vector<3072x1024xf32>
    %iota3A = tpu.iota {dimensions = array<i32: 1>} : vector<3072x1024xi32>
    %reduce_min3A = arith.constant dense<0x7F800000> : vector<3072xf32>
    %reduce_min3A_20 = vector.multi_reduction <minimumf>, %add3A_19, %reduce_min3A [1] : vector<3072x1024xf32> to vector<3072xf32>
    %broadcast_in_dim3A_21 = vector.shape_cast %reduce_min3A_20 : vector<3072xf32> to vector<3072x1xf32>
    %le3A = vector.broadcast %broadcast_in_dim3A_21 : vector<3072x1xf32> to vector<3072x1024xf32>
    %le3A_22 = arith.cmpf ole, %add3A_19, %le3A : vector<3072x1024xf32>
    %jit3A = arith.constant 1024 : i32
    %broadcast_in_dim3A_23 = vector.broadcast %jit3A : i32 to vector<3072x1024xi32>
    %select_n3A = arith.select %le3A_22, %iota3A, %broadcast_in_dim3A_23 : vector<3072x1024xi1>, vector<3072x1024xi32>
    %reduce_min3A_24 = arith.constant dense<2147483647> : vector<3072xi32>
    %reduce_min3A_25 = vector.multi_reduction <minsi>, %select_n3A, %reduce_min3A_24 [1] : vector<3072x1024xi32> to vector<3072xi32>
    %swap3A = arith.constant 0 : index
    %swap3A_26 = arith.constant 0 : index
    %swap3A_27 = vector.load %arg3[%swap3A, %swap3A_26] : memref<3072x128xf32, #tpu.memory_space<vmem>>, vector<3072x128xf32>
    tpu.vector_store %arg3[%swap3A, %swap3A_26], %get3A_3 {strides = array<i32>} : memref<3072x128xf32, #tpu.memory_space<vmem>>, vector<3072x128xf32>,
    %swap3A_28 = arith.constant 0 : index
    %swap3A_29 = arith.constant 0 : index
    %swap3A_30 = arith.constant 0 : index
    %swap3A_31 = vector.load %arg4[%swap3A_28, %swap3A_29, %swap3A_30] : memref<1x1x3072xi32, #tpu.memory_space<vmem>>, vector<1x1x3072xi32>
    %swap3A_32 = vector.shape_cast %swap3A_31 : vector<1x1x3072xi32> to vector<3072xi32>
    %swap3A_33 = vector.shape_cast %reduce_min3A_25 : vector<3072xi32> to vector<1x1x3072xi32>
    tpu.vector_store %arg4[%swap3A_28, %swap3A_29, %swap3A_30], %swap3A_33 {strides = array<i32>} : memref<1x1x3072xi32, #tpu.memory_space<vmem>>, vector<1x1x3072xi32>,
    %reduce_sum3A_34 = vector.shape_cast %broadcast_in_dim3A : vector<3072x1xf32> to vector<1x3072x1xf32>
    %reduce_sum3A_35 = arith.constant dense<0.000000e+00> : vector<1xf32>
    %reduce_sum3A_36 = vector.multi_reduction <add>, %reduce_sum3A_34, %reduce_sum3A_35 [1, 2] : vector<1x3072x1xf32> to vector<1xf32>
    %reduce_sum3A_37 = vector.shape_cast %reduce_sum3A_36 : vector<1xf32> to vector<1x1x1xf32>
    %reduce_sum3A_38 = vector.extract %reduce_sum3A_37[0, 0, 0] : f32 from vector<1x1x1xf32>
    %reshape3A = vector.broadcast %reduce_sum3A_38 : f32 to vector<1x1xf32>
    %eq3A_39 = arith.constant 0 : i32
    %eq3A_40 = arith.cmpi eq, %arg0, %eq3A_39 : i32
    %convert_element_type3A_41 = arith.extui %eq3A_40 : i1 to i32
    %cond3A_42 = arith.constant 0 : i32
    %cond3A_43 = arith.cmpi ne, %convert_element_type3A_41, %cond3A_42 : i32
    scf.if %cond3A_43 {
      %broadcast_in_dim3A_51 = arith.constant 0.000000e+00 : f32
      %broadcast_in_dim3A_52 = vector.broadcast %broadcast_in_dim3A_51 : f32 to vector<1x1xf32>
      %swap3A_53 = arith.constant 0 : index
      %swap3A_54 = arith.constant 0 : index
      %swap3A_55 = vector.load %arg5[%swap3A_53, %swap3A_54] : memref<1x1xf32, #tpu.memory_space<vmem>>, vector<1x1xf32>
      tpu.vector_store %arg5[%swap3A_53, %swap3A_54], %broadcast_in_dim3A_52 {strides = array<i32>} : memref<1x1xf32, #tpu.memory_space<vmem>>, vector<1x1xf32>,
    } else {
    }
    %get3A_44 = arith.constant 0 : index
    %get3A_45 = arith.constant 0 : index
    %get3A_46 = vector.load %arg5[%get3A_44, %get3A_45] : memref<1x1xf32, #tpu.memory_space<vmem>>, vector<1x1xf32>
    %add3A_47 = arith.addf %get3A_46, %reshape3A : vector<1x1xf32>
    %swap3A_48 = arith.constant 0 : index
    %swap3A_49 = arith.constant 0 : index
    %swap3A_50 = vector.load %arg5[%swap3A_48, %swap3A_49] : memref<1x1xf32, #tpu.memory_space<vmem>>, vector<1x1xf32>
    tpu.vector_store %arg5[%swap3A_48, %swap3A_49], %add3A_47 {strides = array<i32>} : memref<1x1xf32, #tpu.memory_space<vmem>>, vector<1x1xf32>,
    return
  }
  func.func @transform_0(%arg0: i32) -> (i32, i32) {
    %c0_i32 = arith.constant 0 : i32
    %c0_i32_0 = arith.constant 0 : i32
    return %arg0, %c0_i32 : i32, i32
  }
  func.func @transform_1(%arg0: i32) -> (i32, i32) {
    %c0_i32 = arith.constant 0 : i32
    %c0_i32_0 = arith.constant 0 : i32
    %c0_i32_1 = arith.constant 0 : i32
    return %c0_i32, %c0_i32_0 : i32, i32
  }
  func.func @transform_2(%arg0: i32) -> (i32, i32) {
    %c0_i32 = arith.constant 0 : i32
    %c0_i32_0 = arith.constant 0 : i32
    return %arg0, %c0_i32 : i32, i32
  }
  func.func @transform_3(%arg0: i32) -> (i32, i32, i32) {
    %c0_i32 = arith.constant 0 : i32
    %c0_i32_0 = arith.constant 0 : i32
    %c0_i32_1 = arith.constant 0 : i32
    return %arg0, %c0_i32, %c0_i32_0 : i32, i32, i32
  }
  func.func @transform_4(%arg0: i32) -> (i32, i32) {
    %c0_i32 = arith.constant 0 : i32
    %c0_i32_0 = arith.constant 0 : i32
    %c0_i32_1 = arith.constant 0 : i32
    return %c0_i32, %c0_i32_0 : i32, i32
  }
}

module attributes {stable_mosaic.version = 14 : i64} {
  func.func @_tc_final_kernel(%arg0: i32, %arg1: memref<3072x128xf32, #tpu.memory_space<vmem>>, %arg2: memref<3072x128xf32, #tpu.memory_space<vmem>>, %arg3: memref<3072x128xf32, #tpu.memory_space<vmem>>, %arg4: memref<3072x128xf32, #tpu.memory_space<vmem>>, %arg5: memref<1x1xf32, #tpu.memory_space<vmem>>) attributes {dimension_semantics = [#tpu.dimension_semantics<arbitrary>], iteration_bounds = array<i64: 6>, scalar_prefetch = 0 : i64, scratch_operands = 0 : i64, tpu.core_type = #tpu.core_type<tc>, window_params = [{transform_indices = @transform_0, window_bounds = array<i64: 3072, 128>}, {transform_indices = @transform_1, window_bounds = array<i64: 3072, 128>}, {transform_indices = @transform_2, window_bounds = array<i64: 3072, 128>}, {transform_indices = @transform_3, window_bounds = array<i64: 3072, 128>}, {pipeline_mode = #tpu.pipeline_mode<synchronous>, transform_indices = @transform_4, window_bounds = array<i64: 1, 1>}]} {
    %get3A = arith.constant 0 : index
    %get3A_0 = arith.constant 0 : index
    %get3A_1 = vector.load %arg2[%get3A, %get3A_0] : memref<3072x128xf32, #tpu.memory_space<vmem>>, vector<3072x128xf32>
    %get3A_2 = arith.constant 0 : index
    %get3A_3 = arith.constant 0 : index
    %get3A_4 = vector.load %arg3[%get3A_2, %get3A_3] : memref<3072x128xf32, #tpu.memory_space<vmem>>, vector<3072x128xf32>
    %sub3A = arith.subf %get3A_1, %get3A_4 : vector<3072x128xf32>
    %get3A_5 = arith.constant 0 : index
    %get3A_6 = arith.constant 0 : index
    %get3A_7 = vector.load %arg1[%get3A_5, %get3A_6] : memref<3072x128xf32, #tpu.memory_space<vmem>>, vector<3072x128xf32>
    %sub3A_8 = arith.subf %get3A_7, %sub3A : vector<3072x128xf32>
    %swap3A = arith.constant 0 : index
    %swap3A_9 = arith.constant 0 : index
    %swap3A_10 = vector.load %arg4[%swap3A, %swap3A_9] : memref<3072x128xf32, #tpu.memory_space<vmem>>, vector<3072x128xf32>
    tpu.vector_store %arg4[%swap3A, %swap3A_9], %sub3A_8 {strides = array<i32>} : memref<3072x128xf32, #tpu.memory_space<vmem>>, vector<3072x128xf32>,
    %mul3A = arith.mulf %sub3A, %sub3A : vector<3072x128xf32>
    %reduce_sum3A = vector.shape_cast %mul3A : vector<3072x128xf32> to vector<1x3072x128xf32>
    %reduce_sum3A_11 = arith.constant dense<0.000000e+00> : vector<1xf32>
    %reduce_sum3A_12 = vector.multi_reduction <add>, %reduce_sum3A, %reduce_sum3A_11 [1, 2] : vector<1x3072x128xf32> to vector<1xf32>
    %reduce_sum3A_13 = vector.shape_cast %reduce_sum3A_12 : vector<1xf32> to vector<1x1x1xf32>
    %reduce_sum3A_14 = vector.extract %reduce_sum3A_13[0, 0, 0] : f32 from vector<1x1x1xf32>
    %reshape3A = vector.broadcast %reduce_sum3A_14 : f32 to vector<1x1xf32>
    %eq3A = arith.constant 0 : i32
    %eq3A_15 = arith.cmpi eq, %arg0, %eq3A : i32
    %convert_element_type3A = arith.extui %eq3A_15 : i1 to i32
    %cond3A = arith.constant 0 : i32
    %cond3A_16 = arith.cmpi ne, %convert_element_type3A, %cond3A : i32
    scf.if %cond3A_16 {
      %broadcast_in_dim3A = arith.constant 0.000000e+00 : f32
      %broadcast_in_dim3A_23 = vector.broadcast %broadcast_in_dim3A : f32 to vector<1x1xf32>
      %swap3A_24 = arith.constant 0 : index
      %swap3A_25 = arith.constant 0 : index
      %swap3A_26 = vector.load %arg5[%swap3A_24, %swap3A_25] : memref<1x1xf32, #tpu.memory_space<vmem>>, vector<1x1xf32>
      tpu.vector_store %arg5[%swap3A_24, %swap3A_25], %broadcast_in_dim3A_23 {strides = array<i32>} : memref<1x1xf32, #tpu.memory_space<vmem>>, vector<1x1xf32>,
    } else {
    }
    %get3A_17 = arith.constant 0 : index
    %get3A_18 = arith.constant 0 : index
    %get3A_19 = vector.load %arg5[%get3A_17, %get3A_18] : memref<1x1xf32, #tpu.memory_space<vmem>>, vector<1x1xf32>
    %add3A = arith.addf %get3A_19, %reshape3A : vector<1x1xf32>
    %swap3A_20 = arith.constant 0 : index
    %swap3A_21 = arith.constant 0 : index
    %swap3A_22 = vector.load %arg5[%swap3A_20, %swap3A_21] : memref<1x1xf32, #tpu.memory_space<vmem>>, vector<1x1xf32>
    tpu.vector_store %arg5[%swap3A_20, %swap3A_21], %add3A {strides = array<i32>} : memref<1x1xf32, #tpu.memory_space<vmem>>, vector<1x1xf32>,
    return
  }
  func.func @transform_0(%arg0: i32) -> (i32, i32) {
    %c0_i32 = arith.constant 0 : i32
    %c0_i32_0 = arith.constant 0 : i32
    return %arg0, %c0_i32 : i32, i32
  }
  func.func @transform_1(%arg0: i32) -> (i32, i32) {
    %c0_i32 = arith.constant 0 : i32
    %c0_i32_0 = arith.constant 0 : i32
    return %arg0, %c0_i32 : i32, i32
  }
  func.func @transform_2(%arg0: i32) -> (i32, i32) {
    %c0_i32 = arith.constant 0 : i32
    %c0_i32_0 = arith.constant 0 : i32
    return %arg0, %c0_i32 : i32, i32
  }
  func.func @transform_3(%arg0: i32) -> (i32, i32) {
    %c0_i32 = arith.constant 0 : i32
    %c0_i32_0 = arith.constant 0 : i32
    return %arg0, %c0_i32 : i32, i32
  }
  func.func @transform_4(%arg0: i32) -> (i32, i32) {
    %c0_i32 = arith.constant 0 : i32
    %c0_i32_0 = arith.constant 0 : i32
    %c0_i32_1 = arith.constant 0 : i32
    return %c0_i32, %c0_i32_0 : i32, i32
  }
}

</mosaic_0001>

<sc_bundles>
// kernel: kernel.11.cloned.1.call-start
scs
__scs_entry_jumppad:
0x0: {  	(pc) =	sbr.rel $0x88, $3  }
0x1: {  	(tag) =	ssettag $0x0;
	lr =	simm.s32 $0x1  }
0x2: {  	[smem:$0x3F9C] =	sst lr;
	_ =	strace $0xD0000000  }
0x3: {  	_ = 	snop  }
0x4: {  	_ = 	snop  }
0x5: {  	_ = 	snop  }
0x6: {  	_ = 	snop  }
0x7: {  	_ = 	snop  }
__scs_overlays_trampoline_lowered:
0x8: {  	[smem:$0x3FAB] =	sst s0  }
0x9: {  	[smem:$0x3FAC] =	sst s1  }
0xa: {  	[smem:$0x3FAD] =	sst s2  }
0xb: {  	[smem:$0x3FAE] =	sst s3  }
0xc: {  	[smem:$0x3FAF] =	sst s4  }
0xd: {  	[smem:$0x3FB0] =	sst s5  }
0xe: {  	[smem:$0x3FB1] =	sst s6  }
0xf: {  	[smem:$0x3FB2] =	sst s7  }
0x10: {  	[smem:$0x3FB3] =	sst s8  }
0x11: {  	[smem:$0x3FB4] =	sst s9;
	s0 =	simm.s32 @!p0 $0x0  }
0x12: {  	s1 =	sld [smem:$0x3F9A];
	s0 =	simm.s32 @p0 $0x1  }
0x13: {  	[smem:$0x3FB5] =	sst s0;
	s0 =	simm.s32 @!p1 $0x0  }
0x14: {  	s2 =	sld [smem:$0x3F99];
	s0 =	simm.s32 @p1 $0x1  }
0x15: {  	[smem:$0x3FB6] =	sst s0;
	s0 =	simm.s32 @!p2 $0x0  }
0x16: {  	s3 =	sld [smem:$0x3FDB];
	s0 =	simm.s32 @p2 $0x1  }
0x17: {  	s4 =	simm.s32 $0x1BF5;
	[smem:$0x3FB8] =	sst s0  }
0x18: {  	s0 =	sld [smem:$0x3F9B];
	_ =	swait.ge [sflag:s4], $0x0  }
0x19: {  	s7 =	sld [smem:$0x3F9C]  }
0x1a: {  	s8 =	sadd.s32 $0xFFFFE003, lr  }
0x1b: {  	s9 =	sadd.s32 $0xFFFFFEF7, lr;
	s5 =	simm.s32 $0xFFFFFFFF;
	p2 =	slt.u32 s8, $0xFFFFF086  }
0x1c: {  	p1 =	slt.u32 s9, $0xF7A;
	s5 =	simm.s32 @!p2 $0x0  }
0x1d: {  	s5 =	simm.s32 @p1 $0x1;
	p0 =	seq.s32 s7, s2  }
0x1e: {  	s7 =	smul.u32 @!p0 $0xF7A, s2;
	p2 =	seq.s32 @!p0 s5, $0x0  }
0x1f: {  	s9 =	smul.u32 $0xF7A, s1;
	s8 =	simm.s32 @!p0 $0x1BF5;
	p2 =	por !p2, p0  }
0x20: {  	[sflag:s8] =	ssyncset.s32 @!p0 $0xFFFFF086;
	s6 =	sadd.s32 @!p0 s3, s7;
	s7 =	simm.s32 @!p0 $0x108  }
0x21: {  	s3 =	sadd.s32 s3, s9;
	s6 =	sadd.s32 @!p0 $0x88, s6;
	s7 =	simm.s32 @p2 $0x1082  }
0x22: {  	[simem:s7], [sflag:s8] =	dma.local @!p0 [hbm:s6], $0xF7A  }
0x23: {  	s9 =	sor.u32 $0xD0000000, s2;
	s6 =	simm.s32 $0x108;
	_ =	swait.ge @!p0 [sflag:s8], $0x0  }
0x24: {  	s3 =	sadd.s32 $0x88, s3;
	s6 =	simm.s32 @!p1 $0x1082;
	[sflag:s4] =	ssyncset.s32 $0xFFFFF086  }
0x25: {  	[simem:s6], [sflag:s4] =	dma.local [hbm:s3], $0xF7A  }
0x26: {  	[smem:$0x3F9C] =	sst s1;
	(tag) =	ssettag s2;
	_ =	strace s9  }
0x27: {  	s1 =	sld [smem:$0x3FAC]  }
0x28: {  	s2 =	sld [smem:$0x3FAD]  }
0x29: {  	s4 =	sld [smem:$0x3FAF]  }
0x2a: {  	p0 =	seq.s32 s5, $0x0;
	s5 =	sld [smem:$0x3FB0]  }
0x2b: {  	s6 =	sld [smem:$0x3FB1]  }
0x2c: {  	s7 =	sld [smem:$0x3FB2]  }
0x2d: {  	s3 =	simm.s32 $0x108;
	s8 =	sld [smem:$0x3FB3]  }
0x2e: {  	s3 =	simm.s32 @!p0 $0x1082;
	s9 =	sld [smem:$0x3FB4]  }
0x2f: {  	lr =	sadd.s32 s0, s3;
	s0 =	sld [smem:$0x3FAB]  }
0x30: {  	s3 =	sld [smem:$0x3FAE]  }
0x31: {  	[smem:$0x3FB7] =	sst s10  }
0x32: {  	s10 =	sld [smem:$0x3FB5];
	_ =	sdelay $0x3  }
0x33: {  	p0 =	seq.s32 s10, $0x1;
	s10 =	sld [smem:$0x3FB7];
	_ =	sdelay $0x3  }
0x34: {  	[smem:$0x3FB7] =	sst s10  }
0x35: {  	s10 =	sld [smem:$0x3FB6];
	_ =	sdelay $0x3  }
0x36: {  	p1 =	seq.s32 s10, $0x1;
	s10 =	sld [smem:$0x3FB7];
	_ =	sdelay $0x3  }
0x37: {  	[smem:$0x3FB7] =	sst s10  }
0x38: {  	s10 =	sld [smem:$0x3FB8]  }
0x39: {  	_ = 	snop;
	(pc) =	sbr.ind lr, $3  }
0x3a: {  	_ = 	snop  }
0x3b: {  	_ = 	snop  }
0x3c: {  	p2 =	seq.s32 s10, $0x1;
	s10 =	sld [smem:$0x3FB7]  }
0x3d: {  	_ =	shalt  }
0x3e: {  	_ =	shalt  }
0x3f: {  	_ =	shalt  }
0x40: {  	_ =	shalt  }
0x41: {  	_ =	shalt  }
0x42: {  	_ =	shalt  }
0x43: {  	_ =	shalt  }
0x44: {  	_ =	shalt  }
0x45: {  	_ =	shalt  }
0x46: {  	_ =	shalt  }
0x47: {  	_ =	shalt  }
0x48: {  	_ =	shalt  }
0x49: {  	_ =	shalt  }
0x4a: {  	_ =	shalt  }
0x4b: {  	_ =	shalt  }
0x4c: {  	_ =	shalt  }
0x4d: {  	_ =	shalt  }
0x4e: {  	_ =	shalt  }
0x4f: {  	_ =	shalt  }
0x50: {  	_ =	shalt  }
0x51: {  	_ =	shalt  }
0x52: {  	_ =	shalt  }
0x53: {  	_ =	shalt  }
0x54: {  	_ =	shalt  }
0x55: {  	_ =	shalt  }
0x56: {  	_ =	shalt  }
0x57: {  	_ =	shalt  }
0x58: {  	_ =	shalt  }
0x59: {  	_ =	shalt  }
0x5a: {  	_ =	shalt  }
0x5b: {  	_ =	shalt  }
0x5c: {  	_ =	shalt  }
0x5d: {  	_ =	shalt  }
0x5e: {  	_ =	shalt  }
0x5f: {  	_ =	shalt  }
0x60: {  	_ =	shalt  }
0x61: {  	_ =	shalt  }
0x62: {  	_ =	shalt  }
0x63: {  	_ =	shalt  }
0x64: {  	_ =	shalt  }
0x65: {  	_ =	shalt  }
0x66: {  	_ =	shalt  }
0x67: {  	_ =	shalt  }
0x68: {  	_ =	shalt  }
0x69: {  	_ =	shalt  }
0x6a: {  	_ =	shalt  }
0x6b: {  	_ =	shalt  }
0x6c: {  	_ =	shalt  }
0x6d: {  	_ =	shalt  }
0x6e: {  	_ =	shalt  }
0x6f: {  	_ =	shalt  }
0x70: {  	_ =	shalt  }
0x71: {  	_ =	shalt  }
0x72: {  	_ =	shalt  }
0x73: {  	_ =	shalt  }
0x74: {  	_ =	shalt  }
0x75: {  	_ =	shalt  }
0x76: {  	_ =	shalt  }
0x77: {  	_ =	shalt  }
0x78: {  	_ =	shalt  }
0x79: {  	_ =	shalt  }
0x7a: {  	_ =	shalt  }
0x7b: {  	_ =	shalt  }
0x7c: {  	_ =	shalt  }
0x7d: {  	_ =	shalt  }
0x7e: {  	_ =	shalt  }
0x7f: {  	_ =	shalt  }
0x80: {  	_ =	shalt  }
0x81: {  	_ =	shalt  }
0x82: {  	_ =	shalt  }
0x83: {  	_ =	shalt  }
0x84: {  	_ =	shalt  }
0x85: {  	_ =	shalt  }
0x86: {  	_ =	shalt  }
0x87: {  	_ =	shalt  }
.Lfunc_end0:
.L_simem_size_0:
called_computation_lowered:
.L_overlay_start_0:
0x88: {  	s2 =	sld [smem:$0x3FD9]  }
0x89: {  	s3 =	sld [smem:$0x3FFE];
	_ =	sdelay $0x1  }
0x8a: {  	s1 =	srdreg.scid  }
0x8b: {  	s0 =	sand.u32 $0x1, s1  }
0x8c: {  	s15 =	sshll.u32 s0, $0xA;
	s2 =	sadd.s32 s3, s2  }
0x8d: {  	s2 =	sadd.s32 s2, s15  }
0x8e: {  	[smem:$0x3FC3] =	sst s2  }
0x8f: {  	_ = 	snop  }
0x90: {  	s2 =	sld [smem:$0x3FD0];
	_ =	sdelay $0x2  }
0x91: {  	s4 =	simm.s32 $0xA;
	s5 =	simm.s32 $0x10;
	s16 =	sld [smem:$0x3FC8]  }
0x92: {  	[smem:s5], [sflag:s4] =	dma.local [hbm:s2], $0x1  }
0x93: {  	_ =	swait.eq [sflag:s4], $0x1  }
0x94: {  	[sflag:s4] =	ssyncset.done $0x0  }
0x95: {  	s17 =	sld [smem:$0x10];
	[sflag:s4] =	ssyncadd.s32 $0xFFFFFFFF  }
0x96: {  	s18 =	sld [smem:$0x12];
	(tm) =	ssettm $0x1  }
0x97: {  	s19 =	sld [smem:$0x3FFB];
	_ =	sdelay $0x3  }
0x98: {  	_ =	strace s19  }
0x99: {  	s5 =	sld [smem:$0x3FFC];
	_ =	sdelay $0x3  }
0x9a: {  	_ =	strace s5  }
0x9b: {  	s5 =	sld [smem:$0x3FFD];
	_ =	sdelay $0x3  }
0x9c: {  	_ =	strace s5  }
0x9d: {  	_ =	strace $0x8FFFFFFF  }
0x9e: {  	s20 =	sld [smem:$0x3FDB];
	_ =	sdelay $0x1  }
0x9f: {  	s6 =	simm.s32 $_scs_section_size  }
0xa0: {  	s7 =	simm.s32 $_size__tile_overlayer_lowered;
	s8 =	simm.s32 $_tile_overlayer_lowered  }
0xa1: {  	s23 =	simm.s32 $0x1BFF;
	s22 =	sshll.u32 s8, $0x1;
	s5 =	sadd.s32 s6, s20  }
0xa2: {  	s9 =	simm.s32 $0x0;
	s21 =	sshll.u32 s7, $0x1;
	s7 =	sadd.s32 s22, s5  }
0xa3: {  	[timem:s9], [sflag:s23] =	dma.local [hbm:s7], s21  }
0xa4: {  	_ =	swait.ge [sflag:s23], s21  }
0xa5: {  	s6 =	ssub.s32 $0x0, s21;
	[sflag:s23] =	ssyncset.done $0x0  }
0xa6: {  	[sflag:s23] =	ssyncadd.s32 s6;
	_ =	sdelay $0x1  }
0xa7: {  	s24 =	simm.s32 $0x1B8B  }
0xa8: {  	_ =	swait.ge [sflag:s24], $0x1  }
0xa9: {  	[sflag:s24] =	ssyncset.done $0x0  }
0xaa: {  	s25 =	simm.s32 $0x1B8E;
	[sflag:s24] =	ssyncadd.s32 $0xFFFFFFFF  }
0xab: {  	s26 =	simm.s32 $execute0_lowered;
	[smem:$0x3FD2] =	sst s25  }
0xac: {  	s6 =	sshll.u32 s26, $0x1;
	_ =	strace $0x80000046;
	[dreg:$0x1] =	wrdreg $0xFFFFFFFF  }
0xad: {  	s28 =	simm.s32 $_size_execute0_lowered;
	s5 =	sadd.s32 s5, s6;
	[dreg:$0x0] =	wrdreg $0x0  }
0xae: {  	s6 =	sshll.u32 s28, $0x1;
	[dreg:$0x2] =	wrdreg s5  }
0xaf: {  	[dreg:$0x3] =	wrdreg s6  }
0xb0: {  	[dreg:$0x4] =	wrdreg $0xC0  }
0xb1: {  	_ =	task [dreg:s9], $0x5FFFF  }
0xb2: {  	[dreg:$0x1] =	wrdreg $0xFFFFFFFF  }
0xb3: {  	[dreg:$0x0] =	wrdreg $0x60  }
0xb4: {  	[dreg:$0x2] =	wrdreg s16  }
0xb5: {  	[dreg:$0x3] =	wrdreg s18  }
0xb6: {  	[dreg:$0x4] =	wrdreg s17  }
0xb7: {  	[dreg:$0x5] =	wrdreg $0x9  }
0xb8: {  	_ =	task.clear_ibuf [dreg:s9], $0x6FFFF;
	_ =	strace $0x90000046  }
0xb9: {  	s29 =	simm.s32 $0x9;
	_ =	strace $0x80000048  }
0xba: {  	_ =	swait.ge [sflag:s29], $0x1  }
0xbb: {  	[sflag:s29] =	ssyncadd.s32 $0xFFFFFFFF  }
0xbc: {  	_ =	strace $0x90000048  }
0xbd: {  	_ =	sfence  }
0xbe: {  	s30 =	sld [smem:$0x0];
	_ =	sdelay $0x2  }
0xbf: {  	s31 =	sshll.u32 s1, $0xD;
	s1 =	sshrl.u32 s1, $0x2  }
0xc0: {  	s3 =	sand.u32 $0x4000, s31;
	s1 =	sadd.s32 s1, s30  }
0xc1: {  	s0 =	sor.u32 s3, s0;
	s1 =	sshll.u32 s1, $0x11  }
0xc2: {  	s0 =	sor.u32 s1, s0  }
0xc3: {  	s0 =	sadd.s32 $0x8F2B, s0  }
0xc4: {  	[sflag:s0] =	ssyncadd.remote.s32 $0x1  }
0xc5: {  	_ =	sfence.sel $0xFFFF  }
0xc6: {  	[dreg:$0x0] =	wrdreg $0xFFFFFFFF;
	(pc) =	sbr.abs _section_cstart, $3  }
0xc7: {  	[dreg:$0x1] =	wrdreg $0xFFFFFFFF  }
0xc8: {  	_ =	task.clear_ibuf [dreg:s9], $0x2FFFF;
	_ =	strace $0x9FFFFFFF  }
0xc9: {  	(tm) =	ssettm $0x7FFFFFFF  }
tec
execute0_lowered:
.L_overlay_start_1:
0x0: {  	(tag) =	ssettag $0x1  }
0x1: {  	s1 =	rddreg [dreg:$0x0]  }
0x2: {  	s2 =	srdreg.scid;
	s0 =	stileid.u32  }
0x3: {  	s4 =	rddreg [dreg:$0x1];
	s6 =	sand.u32 $0x1, s2;
	s30 =	sshll.u32 s0, $0x1  }
0x4: {  	s9 =	rddreg [dreg:$0x2];
	s3 =	simm.s32 $0x0;
	s10 =	sor.u32 s6, s30  }
0x5: {  	[smem:$0x7FF] =	sst s3;
	s5 =	smul.u32 $0x48, s10  }
0x6: {  	s2 =	rddreg [dreg:$0x3];
	_ =	strace $0x80000047  }
0x7: {  	s11 =	ssub.s32 $0x2, s6;
	s5 =	sadd.s32 s4, s5;
	s4 =	simm.s32 $0x2  }
0x8: {  	[tilespmem:s3], [sflag:$0x2] =	stream.linear.gather [hbm4b:s5+s3], $0x240, $0x38;
	[tilespmem:$0x12280] =	vst v63  }
0x9: {  	s7 =	simm.s32 $0x280;
	s12 =	sshrl.u32 s11, $0x1;
	_ =	swait.ge [sflag:s4], $0x240  }
0xa: {  	s8 =	simm.s32 $0x1;
	s11 =	ssub.s32 s11, s12;
	[sflag:s4] =	ssyncset.done $0x0  }
0xb: {  	s6 =	simm.s32 $0x240;
	s31 =	smax.u32 s11, $0x1;
	[sflag:s4] =	ssyncadd.s32 $0xFFFFFDC0  }
0xc: {  	[tilespmem:s7], [sflag:$0x1] =	stream.indirect.gather [hbm4b:s1+s6], $0x80, s3, s6, $0xb8;
	[tilespmem:$0x12280] =	vst v63  }
0xd: {  	s10 =	smul.u32 $0x2400, s10;
	p0 =	sne.s32 s31, $0x1;
	_ =	swait.ge [sflag:s8], $0x12000  }
.Ltmp0:
0xe: {  	[sflag:s8] =	ssyncset.done $0x0;
	(pc) =	sbr.rel @!p0 .LBB2_2-.Ltmp0, $4  }
0xf: {  	s9 =	sadd.s32 s9, s10;
	[sflag:s8] =	ssyncadd.s32 $0xFFFEE000  }
0x10: {  	[hbm4b:s9+s3] =	stream.linear.scatter [tilespmem:s7], [sflag:$0x2], $0x12000, $0x38;
	[tilespmem:$0x12280] =	vst v63  }
0x11: {  	_ =	swait.ge [sflag:s4], $0x12000  }
0x12: {  	s10 =	sadd.s32 $0xFFFFFFFF, s31;
	[sflag:s4] =	ssyncset.done $0x0  }
.LBB2_1:
0x13: {  	p0 =	sne.s32 s10, $0x1;
	s10 =	sadd.s32 $0xFFFFFFFF, s10;
	[sflag:s4] =	ssyncadd.s32 $0xFFFEE000  }
0x14: {  	[tilespmem:s3], [sflag:$0x2] =	stream.linear.gather [hbm4b:s5+s3], $0x240, $0x38;
	[tilespmem:$0x12280] =	vst v63  }
0x15: {  	_ =	swait.ge [sflag:s4], $0x240  }
0x16: {  	[sflag:s4] =	ssyncset.done $0x0  }
0x17: {  	[sflag:s4] =	ssyncadd.s32 $0xFFFFFDC0  }
0x18: {  	[tilespmem:s7], [sflag:$0x1] =	stream.indirect.gather [hbm4b:s1+s6], $0x80, s3, s6, $0xb8;
	[tilespmem:$0x12280] =	vst v63  }
0x19: {  	_ =	swait.ge [sflag:s8], $0x12000  }
.Ltmp1:
0x1a: {  	[sflag:s8] =	ssyncset.done $0x0;
	(pc) =	sbr.rel @p0 .LBB2_1-.Ltmp1, $4  }
0x1b: {  	[sflag:s8] =	ssyncadd.s32 $0xFFFEE000  }
0x1c: {  	[hbm4b:s9+s3] =	stream.linear.scatter [tilespmem:s7], [sflag:$0x2], $0x12000, $0x38;
	[tilespmem:$0x12280] =	vst v63  }
0x1d: {  	_ =	swait.ge [sflag:s4], $0x12000  }
0x1e: {  	[sflag:s4] =	ssyncset.done $0x0  }
.LBB2_2:
0x1f: {  	[sflag:s4] =	ssyncadd.s32 $0xFFFEE000  }
0x20: {  	_ =	sfence.sel $0x180000  }
0x21: {  	[bflag:$0x0] =	sbarrier.arrive $0xFFFF  }
0x22: {  	p0 =	sne.s32 s0, $0x0;
	_ =	strace $0x90000047  }
0x23: {  	s0 =	sadd.s32 @!p0 $0x100000, s2;
	[bflag:$0x2] =	sbarrier.arrive $0xFFFF  }
0x24: {  	[sflag:s0] =	ssyncadd.tile.s32 @!p0 $0x1;
	_ =	shalt  }
.Lfunc_end2:
_tile_overlayer_lowered:
.L_overlay_start_2:
0x25: {  	(tag) =	ssettag $0x2  }
0x26: {  	s0 =	rddreg [dreg:$0x0];
	s2 =	stileid.u32  }
0x27: {  	s1 =	rddreg [dreg:$0x1];
	p0 =	sne.s32 s2, $0x0  }
0x28: {  	s3 =	rddreg [dreg:$0x2];
	[bflag:$0x3] =	sbarrier.arrive $0xFFFF;
	s2 =	simm.s32 @!p0 $0x1C02  }
0x29: {  	[timem:s3], [sflag:s2] =	dma.local @!p0 [hbm:s0], s1  }
0x2a: {  	s0 =	simm.s32 @!p0 $0x2  }
0x2b: {  	_ =	swait.ge @!p0 [sflag:s0], s1  }
0x2c: {  	s1 =	ssub.s32 @!p0 $0x0, s1;
	[sflag:s0] =	ssyncset.done @!p0 $0x0  }
0x2d: {  	[sflag:s0] =	ssyncadd.s32 @!p0 s1  }
0x2e: {  	[bflag:$0x3] =	sbarrier.arrive $0xFFFF  }
0x2f: {  	_ =	shalt  }

// kernel: kernel.14.cloned.1.call-start
scs
__scs_entry_jumppad:
0x0: {  	(pc) =	sbr.rel $0x88, $3  }
0x1: {  	(tag) =	ssettag $0x0;
	lr =	simm.s32 $0x1  }
0x2: {  	[smem:$0x3F9C] =	sst lr;
	_ =	strace $0xD0000000  }
0x3: {  	_ = 	snop  }
0x4: {  	_ = 	snop  }
0x5: {  	_ = 	snop  }
0x6: {  	_ = 	snop  }
0x7: {  	_ = 	snop  }
__scs_overlays_trampoline_lowered:
0x8: {  	[smem:$0x3FAB] =	sst s0  }
0x9: {  	[smem:$0x3FAC] =	sst s1  }
0xa: {  	[smem:$0x3FAD] =	sst s2  }
0xb: {  	[smem:$0x3FAE] =	sst s3  }
0xc: {  	[smem:$0x3FAF] =	sst s4  }
0xd: {  	[smem:$0x3FB0] =	sst s5  }
0xe: {  	[smem:$0x3FB1] =	sst s6  }
0xf: {  	[smem:$0x3FB2] =	sst s7  }
0x10: {  	[smem:$0x3FB3] =	sst s8  }
0x11: {  	[smem:$0x3FB4] =	sst s9;
	s0 =	simm.s32 @!p0 $0x0  }
0x12: {  	s1 =	sld [smem:$0x3F9A];
	s0 =	simm.s32 @p0 $0x1  }
0x13: {  	[smem:$0x3FB5] =	sst s0;
	s0 =	simm.s32 @!p1 $0x0  }
0x14: {  	s2 =	sld [smem:$0x3F99];
	s0 =	simm.s32 @p1 $0x1  }
0x15: {  	[smem:$0x3FB6] =	sst s0;
	s0 =	simm.s32 @!p2 $0x0  }
0x16: {  	s3 =	sld [smem:$0x3FDB];
	s0 =	simm.s32 @p2 $0x1  }
0x17: {  	s4 =	simm.s32 $0x1BF5;
	[smem:$0x3FB8] =	sst s0  }
0x18: {  	s0 =	sld [smem:$0x3F9B];
	_ =	swait.ge [sflag:s4], $0x0  }
0x19: {  	s7 =	sld [smem:$0x3F9C]  }
0x1a: {  	s8 =	sadd.s32 $0xFFFFE003, lr  }
0x1b: {  	s9 =	sadd.s32 $0xFFFFFEF7, lr;
	s5 =	simm.s32 $0xFFFFFFFF;
	p2 =	slt.u32 s8, $0xFFFFF086  }
0x1c: {  	p1 =	slt.u32 s9, $0xF7A;
	s5 =	simm.s32 @!p2 $0x0  }
0x1d: {  	s5 =	simm.s32 @p1 $0x1;
	p0 =	seq.s32 s7, s2  }
0x1e: {  	s7 =	smul.u32 @!p0 $0xF7A, s2;
	p2 =	seq.s32 @!p0 s5, $0x0  }
0x1f: {  	s9 =	smul.u32 $0xF7A, s1;
	s8 =	simm.s32 @!p0 $0x1BF5;
	p2 =	por !p2, p0  }
0x20: {  	[sflag:s8] =	ssyncset.s32 @!p0 $0xFFFFF086;
	s6 =	sadd.s32 @!p0 s3, s7;
	s7 =	simm.s32 @!p0 $0x108  }
0x21: {  	s3 =	sadd.s32 s3, s9;
	s6 =	sadd.s32 @!p0 $0x88, s6;
	s7 =	simm.s32 @p2 $0x1082  }
0x22: {  	[simem:s7], [sflag:s8] =	dma.local @!p0 [hbm:s6], $0xF7A  }
0x23: {  	s9 =	sor.u32 $0xD0000000, s2;
	s6 =	simm.s32 $0x108;
	_ =	swait.ge @!p0 [sflag:s8], $0x0  }
0x24: {  	s3 =	sadd.s32 $0x88, s3;
	s6 =	simm.s32 @!p1 $0x1082;
	[sflag:s4] =	ssyncset.s32 $0xFFFFF086  }
0x25: {  	[simem:s6], [sflag:s4] =	dma.local [hbm:s3], $0xF7A  }
0x26: {  	[smem:$0x3F9C] =	sst s1;
	(tag) =	ssettag s2;
	_ =	strace s9  }
0x27: {  	s1 =	sld [smem:$0x3FAC]  }
0x28: {  	s2 =	sld [smem:$0x3FAD]  }
0x29: {  	s4 =	sld [smem:$0x3FAF]  }
0x2a: {  	p0 =	seq.s32 s5, $0x0;
	s5 =	sld [smem:$0x3FB0]  }
0x2b: {  	s6 =	sld [smem:$0x3FB1]  }
0x2c: {  	s7 =	sld [smem:$0x3FB2]  }
0x2d: {  	s3 =	simm.s32 $0x108;
	s8 =	sld [smem:$0x3FB3]  }
0x2e: {  	s3 =	simm.s32 @!p0 $0x1082;
	s9 =	sld [smem:$0x3FB4]  }
0x2f: {  	lr =	sadd.s32 s0, s3;
	s0 =	sld [smem:$0x3FAB]  }
0x30: {  	s3 =	sld [smem:$0x3FAE]  }
0x31: {  	[smem:$0x3FB7] =	sst s10  }
0x32: {  	s10 =	sld [smem:$0x3FB5];
	_ =	sdelay $0x3  }
0x33: {  	p0 =	seq.s32 s10, $0x1;
	s10 =	sld [smem:$0x3FB7];
	_ =	sdelay $0x3  }
0x34: {  	[smem:$0x3FB7] =	sst s10  }
0x35: {  	s10 =	sld [smem:$0x3FB6];
	_ =	sdelay $0x3  }
0x36: {  	p1 =	seq.s32 s10, $0x1;
	s10 =	sld [smem:$0x3FB7];
	_ =	sdelay $0x3  }
0x37: {  	[smem:$0x3FB7] =	sst s10  }
0x38: {  	s10 =	sld [smem:$0x3FB8]  }
0x39: {  	_ = 	snop;
	(pc) =	sbr.ind lr, $3  }
0x3a: {  	_ = 	snop  }
0x3b: {  	_ = 	snop  }
0x3c: {  	p2 =	seq.s32 s10, $0x1;
	s10 =	sld [smem:$0x3FB7]  }
0x3d: {  	_ =	shalt  }
0x3e: {  	_ =	shalt  }
0x3f: {  	_ =	shalt  }
0x40: {  	_ =	shalt  }
0x41: {  	_ =	shalt  }
0x42: {  	_ =	shalt  }
0x43: {  	_ =	shalt  }
0x44: {  	_ =	shalt  }
0x45: {  	_ =	shalt  }
0x46: {  	_ =	shalt  }
0x47: {  	_ =	shalt  }
0x48: {  	_ =	shalt  }
0x49: {  	_ =	shalt  }
0x4a: {  	_ =	shalt  }
0x4b: {  	_ =	shalt  }
0x4c: {  	_ =	shalt  }
0x4d: {  	_ =	shalt  }
0x4e: {  	_ =	shalt  }
0x4f: {  	_ =	shalt  }
0x50: {  	_ =	shalt  }
0x51: {  	_ =	shalt  }
0x52: {  	_ =	shalt  }
0x53: {  	_ =	shalt  }
0x54: {  	_ =	shalt  }
0x55: {  	_ =	shalt  }
0x56: {  	_ =	shalt  }
0x57: {  	_ =	shalt  }
0x58: {  	_ =	shalt  }
0x59: {  	_ =	shalt  }
0x5a: {  	_ =	shalt  }
0x5b: {  	_ =	shalt  }
0x5c: {  	_ =	shalt  }
0x5d: {  	_ =	shalt  }
0x5e: {  	_ =	shalt  }
0x5f: {  	_ =	shalt  }
0x60: {  	_ =	shalt  }
0x61: {  	_ =	shalt  }
0x62: {  	_ =	shalt  }
0x63: {  	_ =	shalt  }
0x64: {  	_ =	shalt  }
0x65: {  	_ =	shalt  }
0x66: {  	_ =	shalt  }
0x67: {  	_ =	shalt  }
0x68: {  	_ =	shalt  }
0x69: {  	_ =	shalt  }
0x6a: {  	_ =	shalt  }
0x6b: {  	_ =	shalt  }
0x6c: {  	_ =	shalt  }
0x6d: {  	_ =	shalt  }
0x6e: {  	_ =	shalt  }
0x6f: {  	_ =	shalt  }
0x70: {  	_ =	shalt  }
0x71: {  	_ =	shalt  }
0x72: {  	_ =	shalt  }
0x73: {  	_ =	shalt  }
0x74: {  	_ =	shalt  }
0x75: {  	_ =	shalt  }
0x76: {  	_ =	shalt  }
0x77: {  	_ =	shalt  }
0x78: {  	_ =	shalt  }
0x79: {  	_ =	shalt  }
0x7a: {  	_ =	shalt  }
0x7b: {  	_ =	shalt  }
0x7c: {  	_ =	shalt  }
0x7d: {  	_ =	shalt  }
0x7e: {  	_ =	shalt  }
0x7f: {  	_ =	shalt  }
0x80: {  	_ =	shalt  }
0x81: {  	_ =	shalt  }
0x82: {  	_ =	shalt  }
0x83: {  	_ =	shalt  }
0x84: {  	_ =	shalt  }
0x85: {  	_ =	shalt  }
0x86: {  	_ =	shalt  }
0x87: {  	_ =	shalt  }
.Lfunc_end0:
.L_simem_size_0:
called_computation.1_lowered:
.L_overlay_start_0:
0x88: {  	s2 =	sld [smem:$0x3FD9]  }
0x89: {  	s3 =	sld [smem:$0x3FFE];
	_ =	sdelay $0x1  }
0x8a: {  	s1 =	srdreg.scid  }
0x8b: {  	s0 =	sand.u32 $0x1, s1  }
0x8c: {  	s14 =	sshll.u32 s0, $0xA;
	s2 =	sadd.s32 s3, s2  }
0x8d: {  	s2 =	sadd.s32 s2, s14  }
0x8e: {  	[smem:$0x3FC3] =	sst s2  }
0x8f: {  	_ = 	snop  }
0x90: {  	s2 =	sld [smem:$0x3FD0];
	_ =	sdelay $0x2  }
0x91: {  	s4 =	simm.s32 $0xA;
	s5 =	simm.s32 $0x10;
	s15 =	sld [smem:$0x3FC7]  }
0x92: {  	[smem:s5], [sflag:s4] =	dma.local [hbm:s2], $0x1  }
0x93: {  	_ =	swait.eq [sflag:s4], $0x1  }
0x94: {  	[sflag:s4] =	ssyncset.done $0x0  }
0x95: {  	[sflag:s4] =	ssyncadd.s32 $0xFFFFFFFF  }
0x96: {  	s16 =	sld [smem:$0x10];
	(tm) =	ssettm $0x1  }
0x97: {  	s17 =	sld [smem:$0x3FFB];
	_ =	sdelay $0x3  }
0x98: {  	_ =	strace s17  }
0x99: {  	s4 =	sld [smem:$0x3FFC];
	_ =	sdelay $0x3  }
0x9a: {  	_ =	strace s4  }
0x9b: {  	s4 =	sld [smem:$0x3FFD];
	_ =	sdelay $0x3  }
0x9c: {  	_ =	strace s4  }
0x9d: {  	_ =	strace $0x8FFFFFFF  }
0x9e: {  	s18 =	sld [smem:$0x3FDB];
	_ =	sdelay $0x1  }
0x9f: {  	s19 =	simm.s32 $_scs_section_size  }
0xa0: {  	s6 =	simm.s32 $_size__tile_overlayer_lowered;
	s7 =	simm.s32 $_tile_overlayer_lowered  }
0xa1: {  	s22 =	simm.s32 $0x1BFF;
	s21 =	sshll.u32 s7, $0x1;
	s4 =	sadd.s32 s19, s18  }
0xa2: {  	s8 =	simm.s32 $0x0;
	s20 =	sshll.u32 s6, $0x1;
	s6 =	sadd.s32 s21, s4  }
0xa3: {  	[timem:s8], [sflag:s22] =	dma.local [hbm:s6], s20  }
0xa4: {  	_ =	swait.ge [sflag:s22], s20  }
0xa5: {  	s5 =	ssub.s32 $0x0, s20;
	[sflag:s22] =	ssyncset.done $0x0  }
0xa6: {  	[sflag:s22] =	ssyncadd.s32 s5;
	_ =	sdelay $0x1  }
0xa7: {  	s23 =	simm.s32 $0x1B8B  }
0xa8: {  	_ =	swait.ge [sflag:s23], $0x1  }
0xa9: {  	[sflag:s23] =	ssyncset.done $0x0  }
0xaa: {  	s25 =	simm.s32 $0x1B8E;
	s24 =	sld [smem:$0x3FFE];
	[sflag:s23] =	ssyncadd.s32 $0xFFFFFFFF  }
0xab: {  	s26 =	simm.s32 $execute0_lowered;
	[smem:$0x3FD2] =	sst s25  }
0xac: {  	s6 =	sshll.u32 s26, $0x1;
	_ =	strace $0x80000049;
	[dreg:$0x1] =	wrdreg $0xFFFFFFFF  }
0xad: {  	s28 =	simm.s32 $_size_execute0_lowered;
	s4 =	sadd.s32 s4, s6;
	[dreg:$0x0] =	wrdreg $0x0  }
0xae: {  	s6 =	sshll.u32 s28, $0x1;
	[dreg:$0x2] =	wrdreg s4  }
0xaf: {  	[dreg:$0x3] =	wrdreg s6  }
0xb0: {  	[dreg:$0x4] =	wrdreg $0xC0  }
0xb1: {  	_ =	task [dreg:s8], $0x5FFFF  }
0xb2: {  	[dreg:$0x1] =	wrdreg $0xFFFFFFFF  }
0xb3: {  	[dreg:$0x0] =	wrdreg $0x60  }
0xb4: {  	[dreg:$0x2] =	wrdreg s15  }
0xb5: {  	[dreg:$0x3] =	wrdreg s24  }
0xb6: {  	[dreg:$0x4] =	wrdreg s16  }
0xb7: {  	[dreg:$0x5] =	wrdreg $0x9  }
0xb8: {  	_ =	task.clear_ibuf [dreg:s8], $0x6FFFF;
	_ =	strace $0x90000049  }
0xb9: {  	s29 =	simm.s32 $0x9;
	_ =	strace $0x8000004B  }
0xba: {  	_ =	swait.ge [sflag:s29], $0x1  }
0xbb: {  	[sflag:s29] =	ssyncadd.s32 $0xFFFFFFFF  }
0xbc: {  	_ =	strace $0x9000004B  }
0xbd: {  	_ =	sfence  }
0xbe: {  	s30 =	sld [smem:$0x0];
	_ =	sdelay $0x2  }
0xbf: {  	s31 =	sshll.u32 s1, $0xD;
	s1 =	sshrl.u32 s1, $0x2  }
0xc0: {  	s3 =	sand.u32 $0x4000, s31;
	s1 =	sadd.s32 s1, s30  }
0xc1: {  	s0 =	sor.u32 s3, s0;
	s1 =	sshll.u32 s1, $0x11  }
0xc2: {  	s0 =	sor.u32 s1, s0  }
0xc3: {  	s0 =	sadd.s32 $0x8F2B, s0  }
0xc4: {  	[sflag:s0] =	ssyncadd.remote.s32 $0x1  }
0xc5: {  	_ =	sfence.sel $0xFFFF  }
0xc6: {  	[dreg:$0x0] =	wrdreg $0xFFFFFFFF;
	(pc) =	sbr.abs _section_cstart, $3  }
0xc7: {  	[dreg:$0x1] =	wrdreg $0xFFFFFFFF  }
0xc8: {  	_ =	task.clear_ibuf [dreg:s8], $0x2FFFF;
	_ =	strace $0x9FFFFFFF  }
0xc9: {  	(tm) =	ssettm $0x7FFFFFFF  }
tec
execute0_lowered:
.L_overlay_start_1:
0x0: {  	(tag) =	ssettag $0x1  }
0x1: {  	s1 =	srdreg.scid;
	s0 =	stileid.u32  }
0x2: {  	s2 =	rddreg [dreg:$0x0];
	s6 =	sand.u32 $0x1, s1;
	s30 =	sshll.u32 s0, $0x1  }
0x3: {  	s4 =	rddreg [dreg:$0x1];
	s9 =	sor.u32 s6, s30  }
0x4: {  	s10 =	rddreg [dreg:$0x2];
	s3 =	simm.s32 $0x0;
	s5 =	smul.u32 $0x48, s9  }
0x5: {  	[smem:$0x7FF] =	sst s3  }
0x6: {  	s1 =	rddreg [dreg:$0x3];
	_ =	strace $0x8000004A;
	s4 =	sadd.s32 s5, s4  }
0x7: {  	s11 =	ssub.s32 $0x2, s6;
	s5 =	sadd.s32 $0x2E00, s4;
	s4 =	simm.s32 $0x2  }
0x8: {  	[tilespmem:s3], [sflag:$0x2] =	stream.linear.gather [hbm4b:s5+s3], $0x240, $0x38;
	[tilespmem:$0x12280] =	vst v63  }
0x9: {  	s7 =	simm.s32 $0x280;
	s12 =	sshrl.u32 s11, $0x1;
	_ =	swait.ge [sflag:s4], $0x240  }
0xa: {  	s8 =	simm.s32 $0x1;
	s11 =	ssub.s32 s11, s12;
	[sflag:s4] =	ssyncset.done $0x0  }
0xb: {  	s6 =	simm.s32 $0x240;
	s31 =	smax.u32 s11, $0x1;
	[sflag:s4] =	ssyncadd.s32 $0xFFFFFDC0  }
0xc: {  	[tilespmem:s7], [sflag:$0x1] =	stream.indirect.gather [hbm4b:s2+s6], $0x80, s3, s6, $0xb8;
	[tilespmem:$0x12280] =	vst v63  }
0xd: {  	s9 =	smul.u32 $0x2400, s9;
	p0 =	sne.s32 s31, $0x1;
	_ =	swait.ge [sflag:s8], $0x12000  }
.Ltmp0:
0xe: {  	[sflag:s8] =	ssyncset.done $0x0;
	(pc) =	sbr.rel @!p0 .LBB2_2-.Ltmp0, $4  }
0xf: {  	s9 =	sadd.s32 s10, s9;
	[sflag:s8] =	ssyncadd.s32 $0xFFFEE000  }
0x10: {  	[hbm4b:s9+s3] =	stream.linear.scatter [tilespmem:s7], [sflag:$0x2], $0x12000, $0x38;
	[tilespmem:$0x12280] =	vst v63  }
0x11: {  	_ =	swait.ge [sflag:s4], $0x12000  }
0x12: {  	s10 =	sadd.s32 $0xFFFFFFFF, s31;
	[sflag:s4] =	ssyncset.done $0x0  }
.LBB2_1:
0x13: {  	p0 =	sne.s32 s10, $0x1;
	s10 =	sadd.s32 $0xFFFFFFFF, s10;
	[sflag:s4] =	ssyncadd.s32 $0xFFFEE000  }
0x14: {  	[tilespmem:s3], [sflag:$0x2] =	stream.linear.gather [hbm4b:s5+s3], $0x240, $0x38;
	[tilespmem:$0x12280] =	vst v63  }
0x15: {  	_ =	swait.ge [sflag:s4], $0x240  }
0x16: {  	[sflag:s4] =	ssyncset.done $0x0  }
0x17: {  	[sflag:s4] =	ssyncadd.s32 $0xFFFFFDC0  }
0x18: {  	[tilespmem:s7], [sflag:$0x1] =	stream.indirect.gather [hbm4b:s2+s6], $0x80, s3, s6, $0xb8;
	[tilespmem:$0x12280] =	vst v63  }
0x19: {  	_ =	swait.ge [sflag:s8], $0x12000  }
.Ltmp1:
0x1a: {  	[sflag:s8] =	ssyncset.done $0x0;
	(pc) =	sbr.rel @p0 .LBB2_1-.Ltmp1, $4  }
0x1b: {  	[sflag:s8] =	ssyncadd.s32 $0xFFFEE000  }
0x1c: {  	[hbm4b:s9+s3] =	stream.linear.scatter [tilespmem:s7], [sflag:$0x2], $0x12000, $0x38;
	[tilespmem:$0x12280] =	vst v63  }
0x1d: {  	_ =	swait.ge [sflag:s4], $0x12000  }
0x1e: {  	[sflag:s4] =	ssyncset.done $0x0  }
.LBB2_2:
0x1f: {  	[sflag:s4] =	ssyncadd.s32 $0xFFFEE000  }
0x20: {  	_ =	sfence.sel $0x180000  }
0x21: {  	[bflag:$0x0] =	sbarrier.arrive $0xFFFF  }
0x22: {  	p0 =	sne.s32 s0, $0x0;
	_ =	strace $0x9000004A  }
0x23: {  	s0 =	sadd.s32 @!p0 $0x100000, s1;
	[bflag:$0x2] =	sbarrier.arrive $0xFFFF  }
0x24: {  	[sflag:s0] =	ssyncadd.tile.s32 @!p0 $0x1;
	_ =	shalt  }
.Lfunc_end2:
_tile_overlayer_lowered:
.L_overlay_start_2:
0x25: {  	(tag) =	ssettag $0x2  }
0x26: {  	s0 =	rddreg [dreg:$0x0];
	s2 =	stileid.u32  }
0x27: {  	s1 =	rddreg [dreg:$0x1];
	p0 =	sne.s32 s2, $0x0  }
0x28: {  	s3 =	rddreg [dreg:$0x2];
	[bflag:$0x3] =	sbarrier.arrive $0xFFFF;
	s2 =	simm.s32 @!p0 $0x1C02  }
0x29: {  	[timem:s3], [sflag:s2] =	dma.local @!p0 [hbm:s0], s1  }
0x2a: {  	s0 =	simm.s32 @!p0 $0x2  }
0x2b: {  	_ =	swait.ge @!p0 [sflag:s0], s1  }
0x2c: {  	s1 =	ssub.s32 @!p0 $0x0, s1;
	[sflag:s0] =	ssyncset.done @!p0 $0x0  }
0x2d: {  	[sflag:s0] =	ssyncadd.s32 @!p0 s1  }
0x2e: {  	[bflag:$0x3] =	sbarrier.arrive $0xFFFF  }
0x2f: {  	_ =	shalt  }

// kernel: kernel.17.cloned.1.call-start
scs
__scs_entry_jumppad:
0x0: {  	(pc) =	sbr.rel $0x88, $3  }
0x1: {  	(tag) =	ssettag $0x0;
	lr =	simm.s32 $0x1  }
0x2: {  	[smem:$0x3F9C] =	sst lr;
	_ =	strace $0xD0000000  }
0x3: {  	_ = 	snop  }
0x4: {  	_ = 	snop  }
0x5: {  	_ = 	snop  }
0x6: {  	_ = 	snop  }
0x7: {  	_ = 	snop  }
__scs_overlays_trampoline_lowered:
0x8: {  	[smem:$0x3FAB] =	sst s0  }
0x9: {  	[smem:$0x3FAC] =	sst s1  }
0xa: {  	[smem:$0x3FAD] =	sst s2  }
0xb: {  	[smem:$0x3FAE] =	sst s3  }
0xc: {  	[smem:$0x3FAF] =	sst s4  }
0xd: {  	[smem:$0x3FB0] =	sst s5  }
0xe: {  	[smem:$0x3FB1] =	sst s6  }
0xf: {  	[smem:$0x3FB2] =	sst s7  }
0x10: {  	[smem:$0x3FB3] =	sst s8  }
0x11: {  	[smem:$0x3FB4] =	sst s9;
	s0 =	simm.s32 @!p0 $0x0  }
0x12: {  	s1 =	sld [smem:$0x3F9A];
	s0 =	simm.s32 @p0 $0x1  }
0x13: {  	[smem:$0x3FB5] =	sst s0;
	s0 =	simm.s32 @!p1 $0x0  }
0x14: {  	s2 =	sld [smem:$0x3F99];
	s0 =	simm.s32 @p1 $0x1  }
0x15: {  	[smem:$0x3FB6] =	sst s0;
	s0 =	simm.s32 @!p2 $0x0  }
0x16: {  	s3 =	sld [smem:$0x3FDB];
	s0 =	simm.s32 @p2 $0x1  }
0x17: {  	s4 =	simm.s32 $0x1BF5;
	[smem:$0x3FB8] =	sst s0  }
0x18: {  	s0 =	sld [smem:$0x3F9B];
	_ =	swait.ge [sflag:s4], $0x0  }
0x19: {  	s7 =	sld [smem:$0x3F9C]  }
0x1a: {  	s8 =	sadd.s32 $0xFFFFE003, lr  }
0x1b: {  	s9 =	sadd.s32 $0xFFFFFEF7, lr;
	s5 =	simm.s32 $0xFFFFFFFF;
	p2 =	slt.u32 s8, $0xFFFFF086  }
0x1c: {  	p1 =	slt.u32 s9, $0xF7A;
	s5 =	simm.s32 @!p2 $0x0  }
0x1d: {  	s5 =	simm.s32 @p1 $0x1;
	p0 =	seq.s32 s7, s2  }
0x1e: {  	s7 =	smul.u32 @!p0 $0xF7A, s2;
	p2 =	seq.s32 @!p0 s5, $0x0  }
0x1f: {  	s9 =	smul.u32 $0xF7A, s1;
	s8 =	simm.s32 @!p0 $0x1BF5;
	p2 =	por !p2, p0  }
0x20: {  	[sflag:s8] =	ssyncset.s32 @!p0 $0xFFFFF086;
	s6 =	sadd.s32 @!p0 s3, s7;
	s7 =	simm.s32 @!p0 $0x108  }
0x21: {  	s3 =	sadd.s32 s3, s9;
	s6 =	sadd.s32 @!p0 $0x88, s6;
	s7 =	simm.s32 @p2 $0x1082  }
0x22: {  	[simem:s7], [sflag:s8] =	dma.local @!p0 [hbm:s6], $0xF7A  }
0x23: {  	s9 =	sor.u32 $0xD0000000, s2;
	s6 =	simm.s32 $0x108;
	_ =	swait.ge @!p0 [sflag:s8], $0x0  }
0x24: {  	s3 =	sadd.s32 $0x88, s3;
	s6 =	simm.s32 @!p1 $0x1082;
	[sflag:s4] =	ssyncset.s32 $0xFFFFF086  }
0x25: {  	[simem:s6], [sflag:s4] =	dma.local [hbm:s3], $0xF7A  }
0x26: {  	[smem:$0x3F9C] =	sst s1;
	(tag) =	ssettag s2;
	_ =	strace s9  }
0x27: {  	s1 =	sld [smem:$0x3FAC]  }
0x28: {  	s2 =	sld [smem:$0x3FAD]  }
0x29: {  	s4 =	sld [smem:$0x3FAF]  }
0x2a: {  	p0 =	seq.s32 s5, $0x0;
	s5 =	sld [smem:$0x3FB0]  }
0x2b: {  	s6 =	sld [smem:$0x3FB1]  }
0x2c: {  	s7 =	sld [smem:$0x3FB2]  }
0x2d: {  	s3 =	simm.s32 $0x108;
	s8 =	sld [smem:$0x3FB3]  }
0x2e: {  	s3 =	simm.s32 @!p0 $0x1082;
	s9 =	sld [smem:$0x3FB4]  }
0x2f: {  	lr =	sadd.s32 s0, s3;
	s0 =	sld [smem:$0x3FAB]  }
0x30: {  	s3 =	sld [smem:$0x3FAE]  }
0x31: {  	[smem:$0x3FB7] =	sst s10  }
0x32: {  	s10 =	sld [smem:$0x3FB5];
	_ =	sdelay $0x3  }
0x33: {  	p0 =	seq.s32 s10, $0x1;
	s10 =	sld [smem:$0x3FB7];
	_ =	sdelay $0x3  }
0x34: {  	[smem:$0x3FB7] =	sst s10  }
0x35: {  	s10 =	sld [smem:$0x3FB6];
	_ =	sdelay $0x3  }
0x36: {  	p1 =	seq.s32 s10, $0x1;
	s10 =	sld [smem:$0x3FB7];
	_ =	sdelay $0x3  }
0x37: {  	[smem:$0x3FB7] =	sst s10  }
0x38: {  	s10 =	sld [smem:$0x3FB8]  }
0x39: {  	_ = 	snop;
	(pc) =	sbr.ind lr, $3  }
0x3a: {  	_ = 	snop  }
0x3b: {  	_ = 	snop  }
0x3c: {  	p2 =	seq.s32 s10, $0x1;
	s10 =	sld [smem:$0x3FB7]  }
0x3d: {  	_ =	shalt  }
0x3e: {  	_ =	shalt  }
0x3f: {  	_ =	shalt  }
0x40: {  	_ =	shalt  }
0x41: {  	_ =	shalt  }
0x42: {  	_ =	shalt  }
0x43: {  	_ =	shalt  }
0x44: {  	_ =	shalt  }
0x45: {  	_ =	shalt  }
0x46: {  	_ =	shalt  }
0x47: {  	_ =	shalt  }
0x48: {  	_ =	shalt  }
0x49: {  	_ =	shalt  }
0x4a: {  	_ =	shalt  }
0x4b: {  	_ =	shalt  }
0x4c: {  	_ =	shalt  }
0x4d: {  	_ =	shalt  }
0x4e: {  	_ =	shalt  }
0x4f: {  	_ =	shalt  }
0x50: {  	_ =	shalt  }
0x51: {  	_ =	shalt  }
0x52: {  	_ =	shalt  }
0x53: {  	_ =	shalt  }
0x54: {  	_ =	shalt  }
0x55: {  	_ =	shalt  }
0x56: {  	_ =	shalt  }
0x57: {  	_ =	shalt  }
0x58: {  	_ =	shalt  }
0x59: {  	_ =	shalt  }
0x5a: {  	_ =	shalt  }
0x5b: {  	_ =	shalt  }
0x5c: {  	_ =	shalt  }
0x5d: {  	_ =	shalt  }
0x5e: {  	_ =	shalt  }
0x5f: {  	_ =	shalt  }
0x60: {  	_ =	shalt  }
0x61: {  	_ =	shalt  }
0x62: {  	_ =	shalt  }
0x63: {  	_ =	shalt  }
0x64: {  	_ =	shalt  }
0x65: {  	_ =	shalt  }
0x66: {  	_ =	shalt  }
0x67: {  	_ =	shalt  }
0x68: {  	_ =	shalt  }
0x69: {  	_ =	shalt  }
0x6a: {  	_ =	shalt  }
0x6b: {  	_ =	shalt  }
0x6c: {  	_ =	shalt  }
0x6d: {  	_ =	shalt  }
0x6e: {  	_ =	shalt  }
0x6f: {  	_ =	shalt  }
0x70: {  	_ =	shalt  }
0x71: {  	_ =	shalt  }
0x72: {  	_ =	shalt  }
0x73: {  	_ =	shalt  }
0x74: {  	_ =	shalt  }
0x75: {  	_ =	shalt  }
0x76: {  	_ =	shalt  }
0x77: {  	_ =	shalt  }
0x78: {  	_ =	shalt  }
0x79: {  	_ =	shalt  }
0x7a: {  	_ =	shalt  }
0x7b: {  	_ =	shalt  }
0x7c: {  	_ =	shalt  }
0x7d: {  	_ =	shalt  }
0x7e: {  	_ =	shalt  }
0x7f: {  	_ =	shalt  }
0x80: {  	_ =	shalt  }
0x81: {  	_ =	shalt  }
0x82: {  	_ =	shalt  }
0x83: {  	_ =	shalt  }
0x84: {  	_ =	shalt  }
0x85: {  	_ =	shalt  }
0x86: {  	_ =	shalt  }
0x87: {  	_ =	shalt  }
.Lfunc_end0:
.L_simem_size_0:
called_computation.2_lowered:
.L_overlay_start_0:
0x88: {  	s2 =	sld [smem:$0x3FD9]  }
0x89: {  	s3 =	sld [smem:$0x3FFE];
	_ =	sdelay $0x1  }
0x8a: {  	s1 =	srdreg.scid  }
0x8b: {  	s0 =	sand.u32 $0x1, s1  }
0x8c: {  	s14 =	sshll.u32 s0, $0xA;
	s2 =	sadd.s32 s3, s2  }
0x8d: {  	s2 =	sadd.s32 s2, s14  }
0x8e: {  	[smem:$0x3FC3] =	sst s2  }
0x8f: {  	_ = 	snop  }
0x90: {  	s2 =	sld [smem:$0x3FD0];
	_ =	sdelay $0x2  }
0x91: {  	s4 =	simm.s32 $0xA;
	s5 =	simm.s32 $0x10;
	s15 =	sld [smem:$0x3FC6]  }
0x92: {  	[smem:s5], [sflag:s4] =	dma.local [hbm:s2], $0x1  }
0x93: {  	_ =	swait.eq [sflag:s4], $0x1  }
0x94: {  	[sflag:s4] =	ssyncset.done $0x0  }
0x95: {  	[sflag:s4] =	ssyncadd.s32 $0xFFFFFFFF  }
0x96: {  	s16 =	sld [smem:$0x10];
	(tm) =	ssettm $0x1  }
0x97: {  	s17 =	sld [smem:$0x3FFB];
	_ =	sdelay $0x3  }
0x98: {  	_ =	strace s17  }
0x99: {  	s4 =	sld [smem:$0x3FFC];
	_ =	sdelay $0x3  }
0x9a: {  	_ =	strace s4  }
0x9b: {  	s4 =	sld [smem:$0x3FFD];
	_ =	sdelay $0x3  }
0x9c: {  	_ =	strace s4  }
0x9d: {  	_ =	strace $0x8FFFFFFF  }
0x9e: {  	s18 =	sld [smem:$0x3FDB];
	_ =	sdelay $0x1  }
0x9f: {  	s19 =	simm.s32 $_scs_section_size  }
0xa0: {  	s6 =	simm.s32 $_size__tile_overlayer_lowered;
	s7 =	simm.s32 $_tile_overlayer_lowered  }
0xa1: {  	s22 =	simm.s32 $0x1BFF;
	s21 =	sshll.u32 s7, $0x1;
	s4 =	sadd.s32 s19, s18  }
0xa2: {  	s8 =	simm.s32 $0x0;
	s20 =	sshll.u32 s6, $0x1;
	s6 =	sadd.s32 s21, s4  }
0xa3: {  	[timem:s8], [sflag:s22] =	dma.local [hbm:s6], s20  }
0xa4: {  	_ =	swait.ge [sflag:s22], s20  }
0xa5: {  	s5 =	ssub.s32 $0x0, s20;
	[sflag:s22] =	ssyncset.done $0x0  }
0xa6: {  	[sflag:s22] =	ssyncadd.s32 s5;
	_ =	sdelay $0x1  }
0xa7: {  	s23 =	simm.s32 $0x1B8B  }
0xa8: {  	_ =	swait.ge [sflag:s23], $0x1  }
0xa9: {  	[sflag:s23] =	ssyncset.done $0x0  }
0xaa: {  	s25 =	simm.s32 $0x1B8E;
	s24 =	sld [smem:$0x3FFE];
	[sflag:s23] =	ssyncadd.s32 $0xFFFFFFFF  }
0xab: {  	s26 =	simm.s32 $execute0_lowered;
	[smem:$0x3FD2] =	sst s25  }
0xac: {  	s6 =	sshll.u32 s26, $0x1;
	_ =	strace $0x8000004C;
	[dreg:$0x1] =	wrdreg $0xFFFFFFFF  }
0xad: {  	s28 =	simm.s32 $_size_execute0_lowered;
	s4 =	sadd.s32 s4, s6;
	[dreg:$0x0] =	wrdreg $0x0  }
0xae: {  	s6 =	sshll.u32 s28, $0x1;
	[dreg:$0x2] =	wrdreg s4  }
0xaf: {  	[dreg:$0x3] =	wrdreg s6  }
0xb0: {  	[dreg:$0x4] =	wrdreg $0xC0  }
0xb1: {  	_ =	task [dreg:s8], $0x5FFFF  }
0xb2: {  	[dreg:$0x1] =	wrdreg $0xFFFFFFFF  }
0xb3: {  	[dreg:$0x0] =	wrdreg $0x60  }
0xb4: {  	[dreg:$0x2] =	wrdreg s15  }
0xb5: {  	[dreg:$0x3] =	wrdreg s24  }
0xb6: {  	[dreg:$0x4] =	wrdreg s16  }
0xb7: {  	[dreg:$0x5] =	wrdreg $0x9  }
0xb8: {  	_ =	task.clear_ibuf [dreg:s8], $0x6FFFF;
	_ =	strace $0x9000004C  }
0xb9: {  	s29 =	simm.s32 $0x9;
	_ =	strace $0x8000004E  }
0xba: {  	_ =	swait.ge [sflag:s29], $0x1  }
0xbb: {  	[sflag:s29] =	ssyncadd.s32 $0xFFFFFFFF  }
0xbc: {  	_ =	strace $0x9000004E  }
0xbd: {  	_ =	sfence  }
0xbe: {  	s30 =	sld [smem:$0x0];
	_ =	sdelay $0x2  }
0xbf: {  	s31 =	sshll.u32 s1, $0xD;
	s1 =	sshrl.u32 s1, $0x2  }
0xc0: {  	s3 =	sand.u32 $0x4000, s31;
	s1 =	sadd.s32 s1, s30  }
0xc1: {  	s0 =	sor.u32 s3, s0;
	s1 =	sshll.u32 s1, $0x11  }
0xc2: {  	s0 =	sor.u32 s1, s0  }
0xc3: {  	s0 =	sadd.s32 $0x8F2B, s0  }
0xc4: {  	[sflag:s0] =	ssyncadd.remote.s32 $0x1  }
0xc5: {  	_ =	sfence.sel $0xFFFF  }
0xc6: {  	[dreg:$0x0] =	wrdreg $0xFFFFFFFF;
	(pc) =	sbr.abs _section_cstart, $3  }
0xc7: {  	[dreg:$0x1] =	wrdreg $0xFFFFFFFF  }
0xc8: {  	_ =	task.clear_ibuf [dreg:s8], $0x2FFFF;
	_ =	strace $0x9FFFFFFF  }
0xc9: {  	(tm) =	ssettm $0x7FFFFFFF  }
tec
execute0_lowered:
.L_overlay_start_1:
0x0: {  	(tag) =	ssettag $0x1  }
0x1: {  	s1 =	srdreg.scid;
	s0 =	stileid.u32  }
0x2: {  	s2 =	rddreg [dreg:$0x0];
	s6 =	sand.u32 $0x1, s1;
	s30 =	sshll.u32 s0, $0x1  }
0x3: {  	s4 =	rddreg [dreg:$0x1];
	s9 =	sor.u32 s6, s30  }
0x4: {  	s10 =	rddreg [dreg:$0x2];
	s3 =	simm.s32 $0x0;
	s5 =	smul.u32 $0x48, s9  }
0x5: {  	[smem:$0x7FF] =	sst s3  }
0x6: {  	s1 =	rddreg [dreg:$0x3];
	_ =	strace $0x8000004D;
	s4 =	sadd.s32 s5, s4  }
0x7: {  	s11 =	ssub.s32 $0x2, s6;
	s5 =	sadd.s32 $0x3A00, s4;
	s4 =	simm.s32 $0x2  }
0x8: {  	[tilespmem:s3], [sflag:$0x2] =	stream.linear.gather [hbm4b:s5+s3], $0x240, $0x38;
	[tilespmem:$0x12280] =	vst v63  }
0x9: {  	s7 =	simm.s32 $0x280;
	s12 =	sshrl.u32 s11, $0x1;
	_ =	swait.ge [sflag:s4], $0x240  }
0xa: {  	s8 =	simm.s32 $0x1;
	s11 =	ssub.s32 s11, s12;
	[sflag:s4] =	ssyncset.done $0x0  }
0xb: {  	s6 =	simm.s32 $0x240;
	s31 =	smax.u32 s11, $0x1;
	[sflag:s4] =	ssyncadd.s32 $0xFFFFFDC0  }
0xc: {  	[tilespmem:s7], [sflag:$0x1] =	stream.indirect.gather [hbm4b:s2+s6], $0x80, s3, s6, $0xb8;
	[tilespmem:$0x12280] =	vst v63  }
0xd: {  	s9 =	smul.u32 $0x2400, s9;
	p0 =	sne.s32 s31, $0x1;
	_ =	swait.ge [sflag:s8], $0x12000  }
.Ltmp0:
0xe: {  	[sflag:s8] =	ssyncset.done $0x0;
	(pc) =	sbr.rel @!p0 .LBB2_2-.Ltmp0, $4  }
0xf: {  	s9 =	sadd.s32 s10, s9;
	[sflag:s8] =	ssyncadd.s32 $0xFFFEE000  }
0x10: {  	[hbm4b:s9+s3] =	stream.linear.scatter [tilespmem:s7], [sflag:$0x2], $0x12000, $0x38;
	[tilespmem:$0x12280] =	vst v63  }
0x11: {  	_ =	swait.ge [sflag:s4], $0x12000  }
0x12: {  	s10 =	sadd.s32 $0xFFFFFFFF, s31;
	[sflag:s4] =	ssyncset.done $0x0  }
.LBB2_1:
0x13: {  	p0 =	sne.s32 s10, $0x1;
	s10 =	sadd.s32 $0xFFFFFFFF, s10;
	[sflag:s4] =	ssyncadd.s32 $0xFFFEE000  }
0x14: {  	[tilespmem:s3], [sflag:$0x2] =	stream.linear.gather [hbm4b:s5+s3], $0x240, $0x38;
	[tilespmem:$0x12280] =	vst v63  }
0x15: {  	_ =	swait.ge [sflag:s4], $0x240  }
0x16: {  	[sflag:s4] =	ssyncset.done $0x0  }
0x17: {  	[sflag:s4] =	ssyncadd.s32 $0xFFFFFDC0  }
0x18: {  	[tilespmem:s7], [sflag:$0x1] =	stream.indirect.gather [hbm4b:s2+s6], $0x80, s3, s6, $0xb8;
	[tilespmem:$0x12280] =	vst v63  }
0x19: {  	_ =	swait.ge [sflag:s8], $0x12000  }
.Ltmp1:
0x1a: {  	[sflag:s8] =	ssyncset.done $0x0;
	(pc) =	sbr.rel @p0 .LBB2_1-.Ltmp1, $4  }
0x1b: {  	[sflag:s8] =	ssyncadd.s32 $0xFFFEE000  }
0x1c: {  	[hbm4b:s9+s3] =	stream.linear.scatter [tilespmem:s7], [sflag:$0x2], $0x12000, $0x38;
	[tilespmem:$0x12280] =	vst v63  }
0x1d: {  	_ =	swait.ge [sflag:s4], $0x12000  }
0x1e: {  	[sflag:s4] =	ssyncset.done $0x0  }
.LBB2_2:
0x1f: {  	[sflag:s4] =	ssyncadd.s32 $0xFFFEE000  }
0x20: {  	_ =	sfence.sel $0x180000  }
0x21: {  	[bflag:$0x0] =	sbarrier.arrive $0xFFFF  }
0x22: {  	p0 =	sne.s32 s0, $0x0;
	_ =	strace $0x9000004D  }
0x23: {  	s0 =	sadd.s32 @!p0 $0x100000, s1;
	[bflag:$0x2] =	sbarrier.arrive $0xFFFF  }
0x24: {  	[sflag:s0] =	ssyncadd.tile.s32 @!p0 $0x1;
	_ =	shalt  }
.Lfunc_end2:
_tile_overlayer_lowered:
.L_overlay_start_2:
0x25: {  	(tag) =	ssettag $0x2  }
0x26: {  	s0 =	rddreg [dreg:$0x0];
	s2 =	stileid.u32  }
0x27: {  	s1 =	rddreg [dreg:$0x1];
	p0 =	sne.s32 s2, $0x0  }
0x28: {  	s3 =	rddreg [dreg:$0x2];
	[bflag:$0x3] =	sbarrier.arrive $0xFFFF;
	s2 =	simm.s32 @!p0 $0x1C02  }
0x29: {  	[timem:s3], [sflag:s2] =	dma.local @!p0 [hbm:s0], s1  }
0x2a: {  	s0 =	simm.s32 @!p0 $0x2  }
0x2b: {  	_ =	swait.ge @!p0 [sflag:s0], s1  }
0x2c: {  	s1 =	ssub.s32 @!p0 $0x0, s1;
	[sflag:s0] =	ssyncset.done @!p0 $0x0  }
0x2d: {  	[sflag:s0] =	ssyncadd.s32 @!p0 s1  }
0x2e: {  	[bflag:$0x3] =	sbarrier.arrive $0xFFFF  }
0x2f: {  	_ =	shalt  }

// kernel: kernel.20.cloned.1.call-start
scs
__scs_entry_jumppad:
0x0: {  	(pc) =	sbr.rel $0x88, $3  }
0x1: {  	(tag) =	ssettag $0x0;
	lr =	simm.s32 $0x1  }
0x2: {  	[smem:$0x3F9C] =	sst lr;
	_ =	strace $0xD0000000  }
0x3: {  	_ = 	snop  }
0x4: {  	_ = 	snop  }
0x5: {  	_ = 	snop  }
0x6: {  	_ = 	snop  }
0x7: {  	_ = 	snop  }
__scs_overlays_trampoline_lowered:
0x8: {  	[smem:$0x3FAB] =	sst s0  }
0x9: {  	[smem:$0x3FAC] =	sst s1  }
0xa: {  	[smem:$0x3FAD] =	sst s2  }
0xb: {  	[smem:$0x3FAE] =	sst s3  }
0xc: {  	[smem:$0x3FAF] =	sst s4  }
0xd: {  	[smem:$0x3FB0] =	sst s5  }
0xe: {  	[smem:$0x3FB1] =	sst s6  }
0xf: {  	[smem:$0x3FB2] =	sst s7  }
0x10: {  	[smem:$0x3FB3] =	sst s8  }
0x11: {  	[smem:$0x3FB4] =	sst s9;
	s0 =	simm.s32 @!p0 $0x0  }
0x12: {  	s1 =	sld [smem:$0x3F9A];
	s0 =	simm.s32 @p0 $0x1  }
0x13: {  	[smem:$0x3FB5] =	sst s0;
	s0 =	simm.s32 @!p1 $0x0  }
0x14: {  	s2 =	sld [smem:$0x3F99];
	s0 =	simm.s32 @p1 $0x1  }
0x15: {  	[smem:$0x3FB6] =	sst s0;
	s0 =	simm.s32 @!p2 $0x0  }
0x16: {  	s3 =	sld [smem:$0x3FDB];
	s0 =	simm.s32 @p2 $0x1  }
0x17: {  	s4 =	simm.s32 $0x1BF5;
	[smem:$0x3FB8] =	sst s0  }
0x18: {  	s0 =	sld [smem:$0x3F9B];
	_ =	swait.ge [sflag:s4], $0x0  }
0x19: {  	s7 =	sld [smem:$0x3F9C]  }
0x1a: {  	s8 =	sadd.s32 $0xFFFFE003, lr  }
0x1b: {  	s9 =	sadd.s32 $0xFFFFFEF7, lr;
	s5 =	simm.s32 $0xFFFFFFFF;
	p2 =	slt.u32 s8, $0xFFFFF086  }
0x1c: {  	p1 =	slt.u32 s9, $0xF7A;
	s5 =	simm.s32 @!p2 $0x0  }
0x1d: {  	s5 =	simm.s32 @p1 $0x1;
	p0 =	seq.s32 s7, s2  }
0x1e: {  	s7 =	smul.u32 @!p0 $0xF7A, s2;
	p2 =	seq.s32 @!p0 s5, $0x0  }
0x1f: {  	s9 =	smul.u32 $0xF7A, s1;
	s8 =	simm.s32 @!p0 $0x1BF5;
	p2 =	por !p2, p0  }
0x20: {  	[sflag:s8] =	ssyncset.s32 @!p0 $0xFFFFF086;
	s6 =	sadd.s32 @!p0 s3, s7;
	s7 =	simm.s32 @!p0 $0x108  }
0x21: {  	s3 =	sadd.s32 s3, s9;
	s6 =	sadd.s32 @!p0 $0x88, s6;
	s7 =	simm.s32 @p2 $0x1082  }
0x22: {  	[simem:s7], [sflag:s8] =	dma.local @!p0 [hbm:s6], $0xF7A  }
0x23: {  	s9 =	sor.u32 $0xD0000000, s2;
	s6 =	simm.s32 $0x108;
	_ =	swait.ge @!p0 [sflag:s8], $0x0  }
0x24: {  	s3 =	sadd.s32 $0x88, s3;
	s6 =	simm.s32 @!p1 $0x1082;
	[sflag:s4] =	ssyncset.s32 $0xFFFFF086  }
0x25: {  	[simem:s6], [sflag:s4] =	dma.local [hbm:s3], $0xF7A  }
0x26: {  	[smem:$0x3F9C] =	sst s1;
	(tag) =	ssettag s2;
	_ =	strace s9  }
0x27: {  	s1 =	sld [smem:$0x3FAC]  }
0x28: {  	s2 =	sld [smem:$0x3FAD]  }
0x29: {  	s4 =	sld [smem:$0x3FAF]  }
0x2a: {  	p0 =	seq.s32 s5, $0x0;
	s5 =	sld [smem:$0x3FB0]  }
0x2b: {  	s6 =	sld [smem:$0x3FB1]  }
0x2c: {  	s7 =	sld [smem:$0x3FB2]  }
0x2d: {  	s3 =	simm.s32 $0x108;
	s8 =	sld [smem:$0x3FB3]  }
0x2e: {  	s3 =	simm.s32 @!p0 $0x1082;
	s9 =	sld [smem:$0x3FB4]  }
0x2f: {  	lr =	sadd.s32 s0, s3;
	s0 =	sld [smem:$0x3FAB]  }
0x30: {  	s3 =	sld [smem:$0x3FAE]  }
0x31: {  	[smem:$0x3FB7] =	sst s10  }
0x32: {  	s10 =	sld [smem:$0x3FB5];
	_ =	sdelay $0x3  }
0x33: {  	p0 =	seq.s32 s10, $0x1;
	s10 =	sld [smem:$0x3FB7];
	_ =	sdelay $0x3  }
0x34: {  	[smem:$0x3FB7] =	sst s10  }
0x35: {  	s10 =	sld [smem:$0x3FB6];
	_ =	sdelay $0x3  }
0x36: {  	p1 =	seq.s32 s10, $0x1;
	s10 =	sld [smem:$0x3FB7];
	_ =	sdelay $0x3  }
0x37: {  	[smem:$0x3FB7] =	sst s10  }
0x38: {  	s10 =	sld [smem:$0x3FB8]  }
0x39: {  	_ = 	snop;
	(pc) =	sbr.ind lr, $3  }
0x3a: {  	_ = 	snop  }
0x3b: {  	_ = 	snop  }
0x3c: {  	p2 =	seq.s32 s10, $0x1;
	s10 =	sld [smem:$0x3FB7]  }
0x3d: {  	_ =	shalt  }
0x3e: {  	_ =	shalt  }
0x3f: {  	_ =	shalt  }
0x40: {  	_ =	shalt  }
0x41: {  	_ =	shalt  }
0x42: {  	_ =	shalt  }
0x43: {  	_ =	shalt  }
0x44: {  	_ =	shalt  }
0x45: {  	_ =	shalt  }
0x46: {  	_ =	shalt  }
0x47: {  	_ =	shalt  }
0x48: {  	_ =	shalt  }
0x49: {  	_ =	shalt  }
0x4a: {  	_ =	shalt  }
0x4b: {  	_ =	shalt  }
0x4c: {  	_ =	shalt  }
0x4d: {  	_ =	shalt  }
0x4e: {  	_ =	shalt  }
0x4f: {  	_ =	shalt  }
0x50: {  	_ =	shalt  }
0x51: {  	_ =	shalt  }
0x52: {  	_ =	shalt  }
0x53: {  	_ =	shalt  }
0x54: {  	_ =	shalt  }
0x55: {  	_ =	shalt  }
0x56: {  	_ =	shalt  }
0x57: {  	_ =	shalt  }
0x58: {  	_ =	shalt  }
0x59: {  	_ =	shalt  }
0x5a: {  	_ =	shalt  }
0x5b: {  	_ =	shalt  }
0x5c: {  	_ =	shalt  }
0x5d: {  	_ =	shalt  }
0x5e: {  	_ =	shalt  }
0x5f: {  	_ =	shalt  }
0x60: {  	_ =	shalt  }
0x61: {  	_ =	shalt  }
0x62: {  	_ =	shalt  }
0x63: {  	_ =	shalt  }
0x64: {  	_ =	shalt  }
0x65: {  	_ =	shalt  }
0x66: {  	_ =	shalt  }
0x67: {  	_ =	shalt  }
0x68: {  	_ =	shalt  }
0x69: {  	_ =	shalt  }
0x6a: {  	_ =	shalt  }
0x6b: {  	_ =	shalt  }
0x6c: {  	_ =	shalt  }
0x6d: {  	_ =	shalt  }
0x6e: {  	_ =	shalt  }
0x6f: {  	_ =	shalt  }
0x70: {  	_ =	shalt  }
0x71: {  	_ =	shalt  }
0x72: {  	_ =	shalt  }
0x73: {  	_ =	shalt  }
0x74: {  	_ =	shalt  }
0x75: {  	_ =	shalt  }
0x76: {  	_ =	shalt  }
0x77: {  	_ =	shalt  }
0x78: {  	_ =	shalt  }
0x79: {  	_ =	shalt  }
0x7a: {  	_ =	shalt  }
0x7b: {  	_ =	shalt  }
0x7c: {  	_ =	shalt  }
0x7d: {  	_ =	shalt  }
0x7e: {  	_ =	shalt  }
0x7f: {  	_ =	shalt  }
0x80: {  	_ =	shalt  }
0x81: {  	_ =	shalt  }
0x82: {  	_ =	shalt  }
0x83: {  	_ =	shalt  }
0x84: {  	_ =	shalt  }
0x85: {  	_ =	shalt  }
0x86: {  	_ =	shalt  }
0x87: {  	_ =	shalt  }
.Lfunc_end0:
.L_simem_size_0:
called_computation.3_lowered:
.L_overlay_start_0:
0x88: {  	s2 =	sld [smem:$0x3FD9]  }
0x89: {  	s3 =	sld [smem:$0x3FFE];
	_ =	sdelay $0x1  }
0x8a: {  	s1 =	srdreg.scid  }
0x8b: {  	s0 =	sand.u32 $0x1, s1  }
0x8c: {  	s17 =	sshll.u32 s0, $0xA;
	s2 =	sadd.s32 s3, s2  }
0x8d: {  	s2 =	sadd.s32 s2, s17  }
0x8e: {  	[smem:$0x3FC3] =	sst s2  }
0x8f: {  	_ = 	snop  }
0x90: {  	s2 =	sld [smem:$0x3FC5];
	(tm) =	ssettm $0x1  }
0x91: {  	s18 =	sld [smem:$0x3FFB];
	_ =	sdelay $0x3  }
0x92: {  	_ =	strace s18  }
0x93: {  	s3 =	sld [smem:$0x3FFC];
	_ =	sdelay $0x3  }
0x94: {  	_ =	strace s3  }
0x95: {  	s3 =	sld [smem:$0x3FFD];
	_ =	sdelay $0x3  }
0x96: {  	_ =	strace s3  }
0x97: {  	_ =	strace $0x8FFFFFFF  }
0x98: {  	s19 =	sld [smem:$0x3FDB];
	_ =	sdelay $0x1  }
0x99: {  	s4 =	simm.s32 $_scs_section_size  }
0x9a: {  	s5 =	simm.s32 $_size__tile_overlayer_lowered;
	s6 =	simm.s32 $_tile_overlayer_lowered  }
0x9b: {  	s22 =	simm.s32 $0x1BFF;
	s21 =	sshll.u32 s6, $0x1;
	s3 =	sadd.s32 s4, s19  }
0x9c: {  	s7 =	simm.s32 $0x0;
	s20 =	sshll.u32 s5, $0x1;
	s5 =	sadd.s32 s21, s3  }
0x9d: {  	[timem:s7], [sflag:s22] =	dma.local [hbm:s5], s20  }
0x9e: {  	_ =	swait.ge [sflag:s22], s20  }
0x9f: {  	s4 =	ssub.s32 $0x0, s20;
	[sflag:s22] =	ssyncset.done $0x0  }
0xa0: {  	[sflag:s22] =	ssyncadd.s32 s4;
	_ =	sdelay $0x1  }
0xa1: {  	s23 =	simm.s32 $0x1B8B  }
0xa2: {  	_ =	swait.ge [sflag:s23], $0x1  }
0xa3: {  	[sflag:s23] =	ssyncset.done $0x0  }
0xa4: {  	s25 =	simm.s32 $0x1B8E;
	s24 =	sld [smem:$0x3FFE];
	[sflag:s23] =	ssyncadd.s32 $0xFFFFFFFF  }
0xa5: {  	s26 =	simm.s32 $execute0_lowered;
	[smem:$0x3FD2] =	sst s25  }
0xa6: {  	s5 =	sshll.u32 s26, $0x1;
	_ =	strace $0x8000004F;
	[dreg:$0x1] =	wrdreg $0xFFFFFFFF  }
0xa7: {  	s28 =	simm.s32 $_size_execute0_lowered;
	s3 =	sadd.s32 s3, s5;
	[dreg:$0x0] =	wrdreg $0x0  }
0xa8: {  	s5 =	sshll.u32 s28, $0x1;
	[dreg:$0x2] =	wrdreg s3  }
0xa9: {  	[dreg:$0x3] =	wrdreg s5  }
0xaa: {  	[dreg:$0x4] =	wrdreg $0xC0  }
0xab: {  	_ =	task [dreg:s7], $0x5FFFF  }
0xac: {  	[dreg:$0x1] =	wrdreg $0xFFFFFFFF  }
0xad: {  	[dreg:$0x0] =	wrdreg $0x60  }
0xae: {  	[dreg:$0x2] =	wrdreg s2  }
0xaf: {  	[dreg:$0x3] =	wrdreg s24  }
0xb0: {  	[dreg:$0x4] =	wrdreg $0x9  }
0xb1: {  	_ =	task.clear_ibuf [dreg:s7], $0x5FFFF;
	_ =	strace $0x9000004F  }
0xb2: {  	s29 =	simm.s32 $0x9;
	_ =	strace $0x80000051  }
0xb3: {  	_ =	swait.ge [sflag:s29], $0x1  }
0xb4: {  	[sflag:s29] =	ssyncadd.s32 $0xFFFFFFFF  }
0xb5: {  	_ =	strace $0x90000051  }
0xb6: {  	_ =	sfence  }
0xb7: {  	s30 =	sld [smem:$0x0];
	_ =	sdelay $0x2  }
0xb8: {  	s31 =	sshll.u32 s1, $0xD;
	s1 =	sshrl.u32 s1, $0x2  }
0xb9: {  	s3 =	sand.u32 $0x4000, s31;
	s1 =	sadd.s32 s1, s30  }
0xba: {  	s0 =	sor.u32 s3, s0;
	s1 =	sshll.u32 s1, $0x11  }
0xbb: {  	s0 =	sor.u32 s1, s0  }
0xbc: {  	s0 =	sadd.s32 $0x8F2B, s0  }
0xbd: {  	[sflag:s0] =	ssyncadd.remote.s32 $0x1  }
0xbe: {  	_ =	sfence.sel $0xFFFF  }
0xbf: {  	[dreg:$0x0] =	wrdreg $0xFFFFFFFF;
	(pc) =	sbr.abs _section_cstart, $3  }
0xc0: {  	[dreg:$0x1] =	wrdreg $0xFFFFFFFF  }
0xc1: {  	_ =	task.clear_ibuf [dreg:s7], $0x2FFFF;
	_ =	strace $0x9FFFFFFF  }
0xc2: {  	(tm) =	ssettm $0x7FFFFFFF  }
0xc3: {  	_ =	shalt  }
tec
execute0_lowered:
.L_overlay_start_1:
0x0: {  	(tag) =	ssettag $0x1  }
0x1: {  	s1 =	srdreg.scid;
	s0 =	stileid.u32  }
0x2: {  	s2 =	rddreg [dreg:$0x0];
	s6 =	sand.u32 $0x1, s1;
	s30 =	sshll.u32 s0, $0x1  }
0x3: {  	s9 =	rddreg [dreg:$0x1];
	s7 =	sor.u32 s6, s30  }
0x4: {  	s3 =	simm.s32 $0x0;
	s1 =	rddreg [dreg:$0x2];
	s4 =	smul.u32 $0x48, s7  }
0x5: {  	s8 =	simm.s32 $0x1;
	[smem:$0x7FF] =	sst s3  }
0x6: {  	_ =	strace $0x80000050;
	s11 =	ssub.s32 $0x2, s6;
	s4 =	sadd.s32 s4, s9  }
0x7: {  	s6 =	simm.s32 $0x240;
	s5 =	sadd.s32 $0x4600, s4;
	s4 =	simm.s32 $0x2  }
0x8: {  	[tilespmem:s3], [sflag:$0x2] =	stream.linear.gather [hbm4b:s5+s3], $0x240, $0x38;
	[tilespmem:$0x12280] =	vst v63  }
0x9: {  	s10 =	smul.u32 $0x2400, s7;
	s12 =	sshrl.u32 s11, $0x1;
	_ =	swait.ge [sflag:s4], $0x240  }
0xa: {  	s7 =	simm.s32 $0x280;
	s31 =	ssub.s32 s11, s12;
	[sflag:s4] =	ssyncset.done $0x0  }
0xb: {  	s9 =	sadd.s32 s10, s9;
	s10 =	smax.u32 s31, $0x1;
	[sflag:s4] =	ssyncadd.s32 $0xFFFFFDC0  }
0xc: {  	[tilespmem:s7], [sflag:$0x1] =	stream.indirect.gather [hbm4b:s2+s6], $0x80, s3, s6, $0xb8;
	[tilespmem:$0x12280] =	vst v63  }
0xd: {  	p0 =	sne.s32 s10, $0x1;
	_ =	swait.ge [sflag:s8], $0x12000  }
.Ltmp0:
0xe: {  	[sflag:s8] =	ssyncset.done $0x0;
	(pc) =	sbr.rel @!p0 .LBB2_2-.Ltmp0, $4  }
0xf: {  	s9 =	sadd.s32 $0x5000, s9;
	[sflag:s8] =	ssyncadd.s32 $0xFFFEE000  }
0x10: {  	[hbm4b:s9+s3] =	stream.linear.scatter [tilespmem:s7], [sflag:$0x2], $0x12000, $0x38;
	[tilespmem:$0x12280] =	vst v63  }
0x11: {  	_ =	swait.ge [sflag:s4], $0x12000  }
0x12: {  	s10 =	sadd.s32 $0xFFFFFFFF, s10;
	[sflag:s4] =	ssyncset.done $0x0  }
.LBB2_1:
0x13: {  	p0 =	sne.s32 s10, $0x1;
	s10 =	sadd.s32 $0xFFFFFFFF, s10;
	[sflag:s4] =	ssyncadd.s32 $0xFFFEE000  }
0x14: {  	[tilespmem:s3], [sflag:$0x2] =	stream.linear.gather [hbm4b:s5+s3], $0x240, $0x38;
	[tilespmem:$0x12280] =	vst v63  }
0x15: {  	_ =	swait.ge [sflag:s4], $0x240  }
0x16: {  	[sflag:s4] =	ssyncset.done $0x0  }
0x17: {  	[sflag:s4] =	ssyncadd.s32 $0xFFFFFDC0  }
0x18: {  	[tilespmem:s7], [sflag:$0x1] =	stream.indirect.gather [hbm4b:s2+s6], $0x80, s3, s6, $0xb8;
	[tilespmem:$0x12280] =	vst v63  }
0x19: {  	_ =	swait.ge [sflag:s8], $0x12000  }
.Ltmp1:
0x1a: {  	[sflag:s8] =	ssyncset.done $0x0;
	(pc) =	sbr.rel @p0 .LBB2_1-.Ltmp1, $4  }
0x1b: {  	[sflag:s8] =	ssyncadd.s32 $0xFFFEE000  }
0x1c: {  	[hbm4b:s9+s3] =	stream.linear.scatter [tilespmem:s7], [sflag:$0x2], $0x12000, $0x38;
	[tilespmem:$0x12280] =	vst v63  }
0x1d: {  	_ =	swait.ge [sflag:s4], $0x12000  }
0x1e: {  	[sflag:s4] =	ssyncset.done $0x0  }
.LBB2_2:
0x1f: {  	[sflag:s4] =	ssyncadd.s32 $0xFFFEE000  }
0x20: {  	_ =	sfence.sel $0x180000  }
0x21: {  	[bflag:$0x0] =	sbarrier.arrive $0xFFFF  }
0x22: {  	p0 =	sne.s32 s0, $0x0;
	_ =	strace $0x90000050  }
0x23: {  	s0 =	sadd.s32 @!p0 $0x100000, s1;
	[bflag:$0x2] =	sbarrier.arrive $0xFFFF  }
0x24: {  	[sflag:s0] =	ssyncadd.tile.s32 @!p0 $0x1;
	_ =	shalt  }
.Lfunc_end2:
_tile_overlayer_lowered:
.L_overlay_start_2:
0x25: {  	(tag) =	ssettag $0x2  }
0x26: {  	s0 =	rddreg [dreg:$0x0];
	s2 =	stileid.u32  }
0x27: {  	s1 =	rddreg [dreg:$0x1];
	p0 =	sne.s32 s2, $0x0  }
0x28: {  	s3 =	rddreg [dreg:$0x2];
	[bflag:$0x3] =	sbarrier.arrive $0xFFFF;
	s2 =	simm.s32 @!p0 $0x1C02  }
0x29: {  	[timem:s3], [sflag:s2] =	dma.local @!p0 [hbm:s0], s1  }
0x2a: {  	s0 =	simm.s32 @!p0 $0x2  }
0x2b: {  	_ =	swait.ge @!p0 [sflag:s0], s1  }
0x2c: {  	s1 =	ssub.s32 @!p0 $0x0, s1;
	[sflag:s0] =	ssyncset.done @!p0 $0x0  }
0x2d: {  	[sflag:s0] =	ssyncadd.s32 @!p0 s1  }
0x2e: {  	[bflag:$0x3] =	sbarrier.arrive $0xFFFF  }
0x2f: {  	_ =	shalt  }

</sc_bundles>
